<compile_context>
chip_gen: v7x
topology: tpu7x:2x2x1
jax: 0.10.2.dev20260603
libtpu: 0.0.44.dev20260713+nightly
codegen_flags: <defaults>
</compile_context>

<pallas_src>
import functools

import jax
import jax.numpy as jnp
from jax import lax
from jax.experimental import pallas as pl
from jax.experimental.pallas import tpu as pltpu
from jax.experimental.pallas import tpu_sc as plsc

_N_CHANNELS = 4096
_N_BINS = 8192
_LANES = 16

_TC_ROWS = 3584
_SC_ROWS = _N_CHANNELS - _TC_ROWS

_ROW_BLOCK = 256
_NW = 32
_SC_ROWS_PER_W = _SC_ROWS // _NW if _SC_ROWS else 0
_RCHUNK = 4
_NBUF = 2

_LN2 = 0.6931471805599453


def _tc_mv_body(params_ref, energies_ref, m_ref, out_ref, flux_ref):
    i = pl.program_id(0)

    @pl.when(i == 0)
    def _():
        alpha = params_ref[0]
        norm = params_ref[1]
        oma = 1.0 - alpha
        e_low = energies_ref[0, :]
        e_high = energies_ref[1, :]
        flux_ref[0, :] = norm * (jnp.exp(oma * jnp.log(e_high))
                                 - jnp.exp(oma * jnp.log(e_low))) / oma

    m = m_ref[...]
    acc = jnp.sum(m * flux_ref[0, :][None, :], axis=1)
    out_ref[0, 0, :] = jnp.maximum(acc, 1e-6)


def _tc_matvec(parameters, energies, transfer_matrix):
    n_blocks = _TC_ROWS // _ROW_BLOCK
    out = pl.pallas_call(
        _tc_mv_body,
        grid=(n_blocks,),
        in_specs=[
            pl.BlockSpec(memory_space=pltpu.SMEM),
            pl.BlockSpec((2, _N_BINS), lambda i: (0, 0)),
            pl.BlockSpec((_ROW_BLOCK, _N_BINS), lambda i: (i, 0)),
        ],
        out_specs=pl.BlockSpec((1, 1, _ROW_BLOCK), lambda i: (i, 0, 0)),
        out_shape=jax.ShapeDtypeStruct((n_blocks, 1, _ROW_BLOCK), jnp.float32),
        scratch_shapes=[pltpu.VMEM((1, _N_BINS), jnp.float32)],
    )(parameters, energies, transfer_matrix)
    return out.reshape(_TC_ROWS)


def _sc_log2(x):
    bits = plsc.bitcast(x, jnp.int32)
    expo = lax.shift_right_logical(bits, 23) - 127
    m = plsc.bitcast((bits & 0x007FFFFF) | 0x3F800000, jnp.float32)
    t = (m - 1.0) / (m + 1.0)
    t2 = t * t
    p = t2 * (1.0 / 11.0)
    p = t2 * (p + 1.0 / 9.0)
    p = t2 * (p + 1.0 / 7.0)
    p = t2 * (p + 1.0 / 5.0)
    p = t2 * (p + 1.0 / 3.0)
    log2m = t * (p + 1.0) * (2.0 / _LN2)
    return expo.astype(jnp.float32) + log2m


def _sc_mv_body(params_hbm, en_hbm, tm_hbm, out_hbm,
                params_v, en_v, flux_v, ring, out_v, sem0, sem1):
    n_chunks = _SC_ROWS_PER_W // _RCHUNK
    group = _LANES // _RCHUNK
    wid = lax.axis_index("s") * 2 + lax.axis_index("c")
    row0 = _TC_ROWS + wid * _SC_ROWS_PER_W
    sems = (sem0, sem1)
    iota16 = lax.iota(jnp.int32, _LANES)

    def chunk_copy(k, b):
        src = tm_hbm.at[pl.ds(row0 + k * _RCHUNK, _RCHUNK), :]
        return pltpu.make_async_copy(src, ring.at[b], sems[b])

    for b in range(_NBUF):
        chunk_copy(b, b).start()

    pltpu.sync_copy(params_hbm, params_v)
    pltpu.sync_copy(en_hbm, en_v)
    pv = params_v[pl.ds(0, _LANES)]
    alpha = pv[0]
    norm = pv[1]
    oma = 1.0 - alpha
    c_exp = oma * _LN2
    scale = (jnp.zeros((_LANES,), jnp.float32) + norm) / \
        (jnp.zeros((_LANES,), jnp.float32) + oma)

    def fbody(j, carry):
        col = pl.multiple_of(j * _LANES, _LANES)
        e_low = en_v[0, pl.ds(col, _LANES)]
        e_high = en_v[1, pl.ds(col, _LANES)]
        p_hi = jnp.exp(c_exp * _sc_log2(e_high))
        p_lo = jnp.exp(c_exp * _sc_log2(e_low))
        flux_v[pl.ds(col, _LANES)] = scale * (p_hi - p_lo)
        return carry

    lax.fori_loop(0, _N_BINS // _LANES, fbody, 0)

    def do_chunk(k, b, g, res):
        chunk_copy(k, b).wait()
        zero = jnp.zeros((_LANES,), jnp.float32)

        def inner(j, accs):
            col = pl.multiple_of(j * _LANES, _LANES)
            f = flux_v[pl.ds(col, _LANES)]
            return tuple(acc + ring[b, i, pl.ds(col, _LANES)] * f
                         for i, acc in enumerate(accs))

        accs = lax.fori_loop(0, _N_BINS // _LANES, inner,
                             (zero,) * _RCHUNK)
        for i in range(_RCHUNK):
            s = plsc.cumsum(accs[i])[_LANES - 1]
            res = jnp.where(iota16 == g * _RCHUNK + i, s, res)

        @pl.when(k + _NBUF < n_chunks)
        def _():
            chunk_copy(k + _NBUF, b).start()
        return res

    def outer(grp, carry):
        k0 = grp * group
        res = jnp.zeros((_LANES,), jnp.float32)
        for j in range(group):
            res = do_chunk(k0 + j, j % _NBUF, j, res)
        base = pl.multiple_of(k0 * _RCHUNK, _LANES)
        out_v[pl.ds(base, _LANES)] = jnp.maximum(res, 1e-6)
        return carry

    lax.fori_loop(0, n_chunks // group, outer, 0)
    pltpu.sync_copy(out_v, out_hbm.at[pl.ds(wid * _SC_ROWS_PER_W,
                                            _SC_ROWS_PER_W)])


def _sc_matvec(parameters, energies, transfer_matrix):
    params16 = jnp.zeros((_LANES,), jnp.float32).at[:2].set(parameters)
    mesh = plsc.VectorSubcoreMesh(core_axis_name="c", subcore_axis_name="s")
    kern = functools.partial(
        pl.kernel,
        out_type=jax.ShapeDtypeStruct((_SC_ROWS,), jnp.float32),
        mesh=mesh,
        compiler_params=pltpu.CompilerParams(needs_layout_passes=False),
        scratch_types=[
            pltpu.VMEM((_LANES,), jnp.float32),
            pltpu.VMEM((2, _N_BINS), jnp.float32),
            pltpu.VMEM((_N_BINS,), jnp.float32),
            pltpu.VMEM((_NBUF, _RCHUNK, _N_BINS), jnp.float32),
            pltpu.VMEM((_SC_ROWS_PER_W,), jnp.float32),
            pltpu.SemaphoreType.DMA,
            pltpu.SemaphoreType.DMA,
        ],
    )(_sc_mv_body)
    return kern(params16, energies, transfer_matrix)


def kernel(parameters, energies, transfer_matrix):
    parts = []
    if _SC_ROWS:
        sc_part = _sc_matvec(parameters, energies, transfer_matrix)
    if _TC_ROWS:
        parts.append(_tc_matvec(parameters, energies, transfer_matrix))
    if _SC_ROWS:
        parts.append(sc_part)
    if len(parts) == 1:
        return parts[0]
    return jnp.concatenate(parts)

# --- scband reference (transcript-rebuilt; emitter-appended) ---
"""Pipeline reference for scband-count-forward-model-34136400069097 (READ-ONLY COPY).

The authoritative reference and input builder live on the scoring server;
editing this copy changes nothing except your own understanding.
"""

import jax, jax.numpy as jnp
import numpy as np

N_CHANNELS = 4096
N_BINS = 8192


def photon_flux(parameters, e_low, e_high):
    # Faithful stand-in for SpectralModel.photon_flux: an integrated power-law
    # photon flux over each energy bin: K * (E_hi^(1-alpha) - E_lo^(1-alpha)) / (1-alpha)
    alpha = parameters[0]
    norm = parameters[1]
    one_minus_alpha = 1.0 - alpha
    return norm * (jnp.power(e_high, one_minus_alpha) - jnp.power(e_low, one_minus_alpha)) / one_minus_alpha


def setup_inputs(seed: int = 0) -> dict:
    key = jax.random.key(seed)
    k1, _ = jax.random.split(key)
    # in_energies: stacked (e_low, e_high) bin edges on a log grid (typical X-ray RMF binning)
    grid = jnp.geomspace(0.1, 20.0, N_BINS + 1).astype(jnp.float32)
    energies = jnp.stack([grid[:-1], grid[1:]])  # [2, N_BINS]
    # dense transfer (response) matrix: [n_channels, n_energy_bins]
    transfer_matrix = (jax.random.uniform(k1, (N_CHANNELS, N_BINS), dtype=jnp.float32) * 0.01)
    # spectral parameters: (alpha, norm)
    parameters = jnp.array([1.7, 1.0], dtype=jnp.float32)
    return {"parameters": parameters, "energies": energies, "transfer_matrix": transfer_matrix}


def reference(parameters, energies, transfer_matrix):
    flux = photon_flux(parameters, energies[0], energies[1])  # [N_BINS]
    expected_counts = transfer_matrix @ flux                  # [N_CHANNELS]
    return jnp.clip(expected_counts, 1e-06)

if __name__ == "__main__":
    import jax
    _d = setup_inputs()
    print(jax.jit(kernel)(*tuple(_d.values())))

</pallas_src>

<mosaic_0001>
#map = affine_map<(d0, d1) -> (0)>
#map1 = affine_map<(d0, d1) -> (0, 0)>
module attributes {stable_mosaic.version = 14 : i64} {
  func.func @_sc_mv_body(%arg0: i32, %arg1: i32, %arg2: memref<16xf32, #tpu.memory_space<hbm>>, %arg3: memref<2x8192xf32, #tpu.memory_space<hbm>>, %arg4: memref<4096x8192xf32, #tpu.memory_space<hbm>>, %arg5: memref<512xf32, #tpu.memory_space<hbm>>, %arg6: memref<16xf32, #tpu.memory_space<vmem>>, %arg7: memref<2x8192xf32, #tpu.memory_space<vmem>>, %arg8: memref<8192xf32, #tpu.memory_space<vmem>>, %arg9: memref<2x4x8192xf32, #tpu.memory_space<vmem>>, %arg10: memref<16xf32, #tpu.memory_space<vmem>>, %arg11: memref<!tpu.dma_semaphore, #tpu.memory_space<semaphore_mem>>, %arg12: memref<!tpu.dma_semaphore, #tpu.memory_space<semaphore_mem>>) attributes {dimension_semantics = [#tpu.dimension_semantics<core_parallel>, #tpu.dimension_semantics<subcore_parallel>], iteration_bounds = array<i64: 2, 16>, scalar_prefetch = 0 : i64, scratch_operands = 7 : i64, tpu.core_type = #tpu.core_type<sc_vector_subcore>, window_params = [{transform_indices = #map}, {transform_indices = #map1}, {transform_indices = #map1}, {transform_indices = #map}]} {
    %mul3A = arith.constant 2 : i32
    %mul3A_0 = arith.muli %arg1, %mul3A : i32
    %add3A = arith.addi %mul3A_0, %arg0 : i32
    %mul3A_1 = arith.constant 16 : i32
    %mul3A_2 = arith.muli %add3A, %mul3A_1 : i32
    %add3A_3 = arith.constant 3584 : i32
    %add3A_4 = arith.addi %add3A_3, %mul3A_2 : i32
    %iota3A = tpu.iota {dimensions = array<i32: 0>} : vector<16xi32>
    %add3A_5 = arith.constant 0 : i32
    %add3A_6 = arith.addi %add3A_4, %add3A_5 : i32
    %dma_start3A = arith.constant 0 : i32
    %dma_start3A_7 = arith.constant 0 : i32
    %dma_start3A_8 = arith.constant 0 : i32
    %dma_start3A_9 = tpu.memref_slice %arg9[%dma_start3A, %dma_start3A_7, %dma_start3A_8] : memref<2x4x8192xf32, #tpu.memory_space<vmem>> -> memref<1x4x8192xf32, #tpu.memory_space<vmem>>
    %dma_start3A_10 = tpu.memref_squeeze %dma_start3A_9 : memref<1x4x8192xf32, #tpu.memory_space<vmem>> -> memref<4x8192xf32, #tpu.memory_space<vmem>>
    %dma_start3A_11 = arith.constant 0 : i32
    %dma_start3A_12 = tpu.memref_slice %arg4[%add3A_6, %dma_start3A_11] : memref<4096x8192xf32, #tpu.memory_space<hbm>> -> memref<4x8192xf32, #tpu.memory_space<hbm>>
    %dma_start3A_13 = arith.constant 0 : i32
    %dma_start3A_14 = arith.constant 0 : i32
    %dma_start3A_15 = tpu.memref_slice %arg9[%dma_start3A, %dma_start3A_13, %dma_start3A_14] : memref<2x4x8192xf32, #tpu.memory_space<vmem>> -> memref<1x4x8192xf32, #tpu.memory_space<vmem>>
    %dma_start3A_16 = tpu.memref_squeeze %dma_start3A_15 : memref<1x4x8192xf32, #tpu.memory_space<vmem>> -> memref<4x8192xf32, #tpu.memory_space<vmem>>
    %dma_start3A_17 = arith.constant 0 : i32
    %dma_start3A_18 = tpu.memref_slice %arg4[%add3A_6, %dma_start3A_17] : memref<4096x8192xf32, #tpu.memory_space<hbm>> -> memref<4x8192xf32, #tpu.memory_space<hbm>>
    tpu.enqueue_dma source(%dma_start3A_18 : memref<4x8192xf32, #tpu.memory_space<hbm>>) target(%dma_start3A_16 : memref<4x8192xf32, #tpu.memory_space<vmem>>) target_semaphore(%arg11 : memref<!tpu.dma_semaphore, #tpu.memory_space<semaphore_mem>>)
    %add3A_19 = arith.constant 4 : i32
    %add3A_20 = arith.addi %add3A_4, %add3A_19 : i32
    %dma_start3A_21 = arith.constant 1 : i32
    %dma_start3A_22 = arith.constant 0 : i32
    %dma_start3A_23 = arith.constant 0 : i32
    %dma_start3A_24 = tpu.memref_slice %arg9[%dma_start3A_21, %dma_start3A_22, %dma_start3A_23] : memref<2x4x8192xf32, #tpu.memory_space<vmem>> -> memref<1x4x8192xf32, #tpu.memory_space<vmem>>
    %dma_start3A_25 = tpu.memref_squeeze %dma_start3A_24 : memref<1x4x8192xf32, #tpu.memory_space<vmem>> -> memref<4x8192xf32, #tpu.memory_space<vmem>>
    %dma_start3A_26 = arith.constant 0 : i32
    %dma_start3A_27 = tpu.memref_slice %arg4[%add3A_20, %dma_start3A_26] : memref<4096x8192xf32, #tpu.memory_space<hbm>> -> memref<4x8192xf32, #tpu.memory_space<hbm>>
    %dma_start3A_28 = arith.constant 0 : i32
    %dma_start3A_29 = arith.constant 0 : i32
    %dma_start3A_30 = tpu.memref_slice %arg9[%dma_start3A_21, %dma_start3A_28, %dma_start3A_29] : memref<2x4x8192xf32, #tpu.memory_space<vmem>> -> memref<1x4x8192xf32, #tpu.memory_space<vmem>>
    %dma_start3A_31 = tpu.memref_squeeze %dma_start3A_30 : memref<1x4x8192xf32, #tpu.memory_space<vmem>> -> memref<4x8192xf32, #tpu.memory_space<vmem>>
    %dma_start3A_32 = arith.constant 0 : i32
    %dma_start3A_33 = tpu.memref_slice %arg4[%add3A_20, %dma_start3A_32] : memref<4096x8192xf32, #tpu.memory_space<hbm>> -> memref<4x8192xf32, #tpu.memory_space<hbm>>
    tpu.enqueue_dma source(%dma_start3A_33 : memref<4x8192xf32, #tpu.memory_space<hbm>>) target(%dma_start3A_31 : memref<4x8192xf32, #tpu.memory_space<vmem>>) target_semaphore(%arg12 : memref<!tpu.dma_semaphore, #tpu.memory_space<semaphore_mem>>)
    "tpu.region"() ({
      %run_scoped3A = tpu.sem_alloc : memref<!tpu.dma_semaphore, #tpu.memory_space<semaphore_mem>>
      tpu.enqueue_dma source(%arg2 : memref<16xf32, #tpu.memory_space<hbm>>) target(%arg6 : memref<16xf32, #tpu.memory_space<vmem>>) target_semaphore(%run_scoped3A : memref<!tpu.dma_semaphore, #tpu.memory_space<semaphore_mem>>)
      tpu.wait_dma2 semaphore(%run_scoped3A : memref<!tpu.dma_semaphore, #tpu.memory_space<semaphore_mem>>) src(%arg2 : memref<16xf32, #tpu.memory_space<hbm>>) dst(%arg6 : memref<16xf32, #tpu.memory_space<vmem>>)
      tpu.yield
    }) : () -> ()
    "tpu.region"() ({
      %run_scoped3A = tpu.sem_alloc : memref<!tpu.dma_semaphore, #tpu.memory_space<semaphore_mem>>
      tpu.enqueue_dma source(%arg3 : memref<2x8192xf32, #tpu.memory_space<hbm>>) target(%arg7 : memref<2x8192xf32, #tpu.memory_space<vmem>>) target_semaphore(%run_scoped3A : memref<!tpu.dma_semaphore, #tpu.memory_space<semaphore_mem>>)
      tpu.wait_dma2 semaphore(%run_scoped3A : memref<!tpu.dma_semaphore, #tpu.memory_space<semaphore_mem>>) src(%arg3 : memref<2x8192xf32, #tpu.memory_space<hbm>>) dst(%arg7 : memref<2x8192xf32, #tpu.memory_space<vmem>>)
      tpu.yield
    }) : () -> ()
    %get3A = arith.constant 0 : index
    %get3A_34 = tpu.vector_load %arg6[%get3A] {strides = array<i32>} : memref<16xf32, #tpu.memory_space<vmem>>, vector<16xf32>,
    %slice3A = vector.extract_strided_slice %get3A_34 {offsets = [0], sizes = [1], strides = [1]} : vector<16xf32> to vector<1xf32>
    %squeeze3A = vector.extract %slice3A[0] : f32 from vector<1xf32>
    %slice3A_35 = vector.extract_strided_slice %get3A_34 {offsets = [1], sizes = [1], strides = [1]} : vector<16xf32> to vector<1xf32>
    %squeeze3A_36 = vector.extract %slice3A_35[0] : f32 from vector<1xf32>
    %sub3A = arith.constant 1.000000e+00 : f32
    %sub3A_37 = arith.subf %sub3A, %squeeze3A : f32
    %mul3A_38 = arith.constant 0.693147182 : f32
    %mul3A_39 = arith.mulf %sub3A_37, %mul3A_38 : f32
    %broadcast_in_dim3A = arith.constant 0.000000e+00 : f32
    %broadcast_in_dim3A_40 = vector.broadcast %broadcast_in_dim3A : f32 to vector<16xf32>
    %add3A_41 = vector.broadcast %squeeze3A_36 : f32 to vector<16xf32>
    %add3A_42 = arith.addf %broadcast_in_dim3A_40, %add3A_41 : vector<16xf32>
    %broadcast_in_dim3A_43 = arith.constant 0.000000e+00 : f32
    %broadcast_in_dim3A_44 = vector.broadcast %broadcast_in_dim3A_43 : f32 to vector<16xf32>
    %add3A_45 = vector.broadcast %sub3A_37 : f32 to vector<16xf32>
    %add3A_46 = arith.addf %broadcast_in_dim3A_44, %add3A_45 : vector<16xf32>
    %div3A = arith.divf %add3A_42, %add3A_46 : vector<16xf32>
    %scan3A = arith.constant 0 : i32
    %scan3A_47 = arith.constant 0 : i32
    %scan3A_48 = arith.constant 512 : i32
    %scan3A_49 = arith.addi %scan3A_47, %scan3A_48 : i32
    %scan3A_50 = arith.constant 1 : i32
    scf.for %scan3A_351 = %scan3A_47 to %scan3A_49 step %scan3A_50  : i32 {
      %mul3A_352 = arith.constant 16 : i32
      %mul3A_353 = arith.muli %scan3A_351, %mul3A_352 : i32
      %multiple_of3A_354 = tpu.assume_multiple %mul3A_353, 16 : i32
      %get3A_355 = arith.constant 0 : i32
      %get3A_356 = arith.index_cast %get3A_355 : i32 to index
      %get3A_357 = arith.index_cast %multiple_of3A_354 : i32 to index
      %get3A_358 = tpu.vector_load %arg7[%get3A_356, %get3A_357] {strides = array<i32>} : memref<2x8192xf32, #tpu.memory_space<vmem>>, vector<16xf32>,
      %get3A_359 = arith.constant 1 : i32
      %get3A_360 = arith.index_cast %get3A_359 : i32 to index
      %get3A_361 = arith.index_cast %multiple_of3A_354 : i32 to index
      %get3A_362 = tpu.vector_load %arg7[%get3A_360, %get3A_361] {strides = array<i32>} : memref<2x8192xf32, #tpu.memory_space<vmem>>, vector<16xf32>,
      %bitcast3A = vector.bitcast %get3A_362 : vector<16xf32> to vector<16xi32>
      %shift_right_logical3A = arith.constant 23 : i32
      %shift_right_logical3A_363 = vector.broadcast %shift_right_logical3A : i32 to vector<16xi32>
      %shift_right_logical3A_364 = arith.shrui %bitcast3A, %shift_right_logical3A_363 : vector<16xi32>
      %sub3A_365 = arith.constant 127 : i32
      %sub3A_366 = vector.broadcast %sub3A_365 : i32 to vector<16xi32>
      %sub3A_367 = arith.subi %shift_right_logical3A_364, %sub3A_366 : vector<16xi32>
      %and3A = arith.constant 8388607 : i32
      %and3A_368 = vector.broadcast %and3A : i32 to vector<16xi32>
      %and3A_369 = arith.andi %bitcast3A, %and3A_368 : vector<16xi32>
      %or3A = arith.constant 1065353216 : i32
      %or3A_370 = vector.broadcast %or3A : i32 to vector<16xi32>
      %or3A_371 = arith.ori %and3A_369, %or3A_370 : vector<16xi32>
      %bitcast3A_372 = vector.bitcast %or3A_371 : vector<16xi32> to vector<16xf32>
      %sub3A_373 = arith.constant 1.000000e+00 : f32
      %sub3A_374 = vector.broadcast %sub3A_373 : f32 to vector<16xf32>
      %sub3A_375 = arith.subf %bitcast3A_372, %sub3A_374 : vector<16xf32>
      %add3A_376 = arith.constant 1.000000e+00 : f32
      %add3A_377 = vector.broadcast %add3A_376 : f32 to vector<16xf32>
      %add3A_378 = arith.addf %bitcast3A_372, %add3A_377 : vector<16xf32>
      %div3A_379 = arith.divf %sub3A_375, %add3A_378 : vector<16xf32>
      %mul3A_380 = arith.mulf %div3A_379, %div3A_379 : vector<16xf32>
      %mul3A_381 = arith.constant 0.0909090936 : f32
      %mul3A_382 = vector.broadcast %mul3A_381 : f32 to vector<16xf32>
      %mul3A_383 = arith.mulf %mul3A_380, %mul3A_382 : vector<16xf32>
      %add3A_384 = arith.constant 0.111111112 : f32
      %add3A_385 = vector.broadcast %add3A_384 : f32 to vector<16xf32>
      %add3A_386 = arith.addf %mul3A_383, %add3A_385 : vector<16xf32>
      %mul3A_387 = arith.mulf %mul3A_380, %add3A_386 : vector<16xf32>
      %add3A_388 = arith.constant 0.142857149 : f32
      %add3A_389 = vector.broadcast %add3A_388 : f32 to vector<16xf32>
      %add3A_390 = arith.addf %mul3A_387, %add3A_389 : vector<16xf32>
      %mul3A_391 = arith.mulf %mul3A_380, %add3A_390 : vector<16xf32>
      %add3A_392 = arith.constant 2.000000e-01 : f32
      %add3A_393 = vector.broadcast %add3A_392 : f32 to vector<16xf32>
      %add3A_394 = arith.addf %mul3A_391, %add3A_393 : vector<16xf32>
      %mul3A_395 = arith.mulf %mul3A_380, %add3A_394 : vector<16xf32>
      %add3A_396 = arith.constant 0.333333343 : f32
      %add3A_397 = vector.broadcast %add3A_396 : f32 to vector<16xf32>
      %add3A_398 = arith.addf %mul3A_395, %add3A_397 : vector<16xf32>
      %mul3A_399 = arith.mulf %mul3A_380, %add3A_398 : vector<16xf32>
      %add3A_400 = arith.constant 1.000000e+00 : f32
      %add3A_401 = vector.broadcast %add3A_400 : f32 to vector<16xf32>
      %add3A_402 = arith.addf %mul3A_399, %add3A_401 : vector<16xf32>
      %mul3A_403 = arith.mulf %div3A_379, %add3A_402 : vector<16xf32>
      %mul3A_404 = arith.constant 2.885390e+00 : f32
      %mul3A_405 = vector.broadcast %mul3A_404 : f32 to vector<16xf32>
      %mul3A_406 = arith.mulf %mul3A_403, %mul3A_405 : vector<16xf32>
      %convert_element_type3A_407 = arith.sitofp %sub3A_367 : vector<16xi32> to vector<16xf32>
      %add3A_408 = arith.addf %convert_element_type3A_407, %mul3A_406 : vector<16xf32>
      %mul3A_409 = vector.broadcast %mul3A_39 : f32 to vector<16xf32>
      %mul3A_410 = arith.mulf %mul3A_409, %add3A_408 : vector<16xf32>
      %exp3A = math.exp %mul3A_410 : vector<16xf32>
      %bitcast3A_411 = vector.bitcast %get3A_358 : vector<16xf32> to vector<16xi32>
      %shift_right_logical3A_412 = arith.constant 23 : i32
      %shift_right_logical3A_413 = vector.broadcast %shift_right_logical3A_412 : i32 to vector<16xi32>
      %shift_right_logical3A_414 = arith.shrui %bitcast3A_411, %shift_right_logical3A_413 : vector<16xi32>
      %sub3A_415 = arith.constant 127 : i32
      %sub3A_416 = vector.broadcast %sub3A_415 : i32 to vector<16xi32>
      %sub3A_417 = arith.subi %shift_right_logical3A_414, %sub3A_416 : vector<16xi32>
      %and3A_418 = arith.constant 8388607 : i32
      %and3A_419 = vector.broadcast %and3A_418 : i32 to vector<16xi32>
      %and3A_420 = arith.andi %bitcast3A_411, %and3A_419 : vector<16xi32>
      %or3A_421 = arith.constant 1065353216 : i32
      %or3A_422 = vector.broadcast %or3A_421 : i32 to vector<16xi32>
      %or3A_423 = arith.ori %and3A_420, %or3A_422 : vector<16xi32>
      %bitcast3A_424 = vector.bitcast %or3A_423 : vector<16xi32> to vector<16xf32>
      %sub3A_425 = arith.constant 1.000000e+00 : f32
      %sub3A_426 = vector.broadcast %sub3A_425 : f32 to vector<16xf32>
      %sub3A_427 = arith.subf %bitcast3A_424, %sub3A_426 : vector<16xf32>
      %add3A_428 = arith.constant 1.000000e+00 : f32
      %add3A_429 = vector.broadcast %add3A_428 : f32 to vector<16xf32>
      %add3A_430 = arith.addf %bitcast3A_424, %add3A_429 : vector<16xf32>
      %div3A_431 = arith.divf %sub3A_427, %add3A_430 : vector<16xf32>
      %mul3A_432 = arith.mulf %div3A_431, %div3A_431 : vector<16xf32>
      %mul3A_433 = arith.constant 0.0909090936 : f32
      %mul3A_434 = vector.broadcast %mul3A_433 : f32 to vector<16xf32>
      %mul3A_435 = arith.mulf %mul3A_432, %mul3A_434 : vector<16xf32>
      %add3A_436 = arith.constant 0.111111112 : f32
      %add3A_437 = vector.broadcast %add3A_436 : f32 to vector<16xf32>
      %add3A_438 = arith.addf %mul3A_435, %add3A_437 : vector<16xf32>
      %mul3A_439 = arith.mulf %mul3A_432, %add3A_438 : vector<16xf32>
      %add3A_440 = arith.constant 0.142857149 : f32
      %add3A_441 = vector.broadcast %add3A_440 : f32 to vector<16xf32>
      %add3A_442 = arith.addf %mul3A_439, %add3A_441 : vector<16xf32>
      %mul3A_443 = arith.mulf %mul3A_432, %add3A_442 : vector<16xf32>
      %add3A_444 = arith.constant 2.000000e-01 : f32
      %add3A_445 = vector.broadcast %add3A_444 : f32 to vector<16xf32>
      %add3A_446 = arith.addf %mul3A_443, %add3A_445 : vector<16xf32>
      %mul3A_447 = arith.mulf %mul3A_432, %add3A_446 : vector<16xf32>
      %add3A_448 = arith.constant 0.333333343 : f32
      %add3A_449 = vector.broadcast %add3A_448 : f32 to vector<16xf32>
      %add3A_450 = arith.addf %mul3A_447, %add3A_449 : vector<16xf32>
      %mul3A_451 = arith.mulf %mul3A_432, %add3A_450 : vector<16xf32>
      %add3A_452 = arith.constant 1.000000e+00 : f32
      %add3A_453 = vector.broadcast %add3A_452 : f32 to vector<16xf32>
      %add3A_454 = arith.addf %mul3A_451, %add3A_453 : vector<16xf32>
      %mul3A_455 = arith.mulf %div3A_431, %add3A_454 : vector<16xf32>
      %mul3A_456 = arith.constant 2.885390e+00 : f32
      %mul3A_457 = vector.broadcast %mul3A_456 : f32 to vector<16xf32>
      %mul3A_458 = arith.mulf %mul3A_455, %mul3A_457 : vector<16xf32>
      %convert_element_type3A_459 = arith.sitofp %sub3A_417 : vector<16xi32> to vector<16xf32>
      %add3A_460 = arith.addf %convert_element_type3A_459, %mul3A_458 : vector<16xf32>
      %mul3A_461 = vector.broadcast %mul3A_39 : f32 to vector<16xf32>
      %mul3A_462 = arith.mulf %mul3A_461, %add3A_460 : vector<16xf32>
      %exp3A_463 = math.exp %mul3A_462 : vector<16xf32>
      %sub3A_464 = arith.subf %exp3A, %exp3A_463 : vector<16xf32>
      %mul3A_465 = arith.mulf %div3A, %sub3A_464 : vector<16xf32>
      %swap3A_466 = arith.index_cast %multiple_of3A_354 : i32 to index
      %swap3A_467 = tpu.vector_load %arg8[%swap3A_466] {strides = array<i32>} : memref<8192xf32, #tpu.memory_space<vmem>>, vector<16xf32>,
      tpu.vector_store %arg8[%swap3A_466], %mul3A_465 {strides = array<i32>} : memref<8192xf32, #tpu.memory_space<vmem>>, vector<16xf32>,
    }
    %scan3A_51 = arith.constant 512 : i32
    %scan3A_52 = arith.constant 0 : i32
    %scan3A_53 = arith.constant 0 : i32
    %mul3A_54 = arith.constant 4 : i32
    %mul3A_55 = arith.muli %scan3A_53, %mul3A_54 : i32
    %broadcast_in_dim3A_56 = arith.constant 0.000000e+00 : f32
    %broadcast_in_dim3A_57 = vector.broadcast %broadcast_in_dim3A_56 : f32 to vector<16xf32>
    %add3A_58 = arith.constant 0 : i32
    %add3A_59 = arith.addi %mul3A_55, %add3A_58 : i32
    %mul3A_60 = arith.constant 4 : i32
    %mul3A_61 = arith.muli %add3A_59, %mul3A_60 : i32
    %add3A_62 = arith.addi %add3A_4, %mul3A_61 : i32
    %dma_wait3A = arith.constant 0 : i32
    %dma_wait3A_63 = arith.constant 0 : i32
    %dma_wait3A_64 = arith.constant 0 : i32
    %dma_wait3A_65 = tpu.memref_slice %arg9[%dma_wait3A, %dma_wait3A_63, %dma_wait3A_64] : memref<2x4x8192xf32, #tpu.memory_space<vmem>> -> memref<1x4x8192xf32, #tpu.memory_space<vmem>>
    %dma_wait3A_66 = tpu.memref_squeeze %dma_wait3A_65 : memref<1x4x8192xf32, #tpu.memory_space<vmem>> -> memref<4x8192xf32, #tpu.memory_space<vmem>>
    %dma_wait3A_67 = arith.constant 0 : i32
    %dma_wait3A_68 = tpu.memref_slice %arg4[%add3A_62, %dma_wait3A_67] : memref<4096x8192xf32, #tpu.memory_space<hbm>> -> memref<4x8192xf32, #tpu.memory_space<hbm>>
    %dma_wait3A_69 = arith.constant 0 : i32
    %dma_wait3A_70 = arith.constant 0 : i32
    %dma_wait3A_71 = tpu.memref_slice %arg9[%dma_wait3A, %dma_wait3A_69, %dma_wait3A_70] : memref<2x4x8192xf32, #tpu.memory_space<vmem>> -> memref<1x4x8192xf32, #tpu.memory_space<vmem>>
    %dma_wait3A_72 = tpu.memref_squeeze %dma_wait3A_71 : memref<1x4x8192xf32, #tpu.memory_space<vmem>> -> memref<4x8192xf32, #tpu.memory_space<vmem>>
    %dma_wait3A_73 = arith.constant 0 : i32
    %dma_wait3A_74 = tpu.memref_slice %arg4[%add3A_62, %dma_wait3A_73] : memref<4096x8192xf32, #tpu.memory_space<hbm>> -> memref<4x8192xf32, #tpu.memory_space<hbm>>
    tpu.wait_dma2 semaphore(%arg11 : memref<!tpu.dma_semaphore, #tpu.memory_space<semaphore_mem>>) src(%dma_wait3A_74 : memref<4x8192xf32, #tpu.memory_space<hbm>>) dst(%dma_wait3A_72 : memref<4x8192xf32, #tpu.memory_space<vmem>>)
    %broadcast_in_dim3A_75 = arith.constant 0.000000e+00 : f32
    %broadcast_in_dim3A_76 = vector.broadcast %broadcast_in_dim3A_75 : f32 to vector<16xf32>
    %scan3A_77 = arith.constant 0 : i32
    %scan3A_78 = arith.constant 512 : i32
    %scan3A_79 = arith.addi %scan3A_77, %scan3A_78 : i32
    %scan3A_80 = arith.constant 1 : i32
    %scan3A_81:4 = scf.for %scan3A_351 = %scan3A_77 to %scan3A_79 step %scan3A_80 iter_args(%scan3A_352 = %broadcast_in_dim3A_76, %scan3A_353 = %broadcast_in_dim3A_76, %scan3A_354 = %broadcast_in_dim3A_76, %scan3A_355 = %broadcast_in_dim3A_76) -> (vector<16xf32>, vector<16xf32>, vector<16xf32>, vector<16xf32>)  : i32 {
      %mul3A_356 = arith.constant 16 : i32
      %mul3A_357 = arith.muli %scan3A_351, %mul3A_356 : i32
      %multiple_of3A_358 = tpu.assume_multiple %mul3A_357, 16 : i32
      %get3A_359 = arith.index_cast %multiple_of3A_358 : i32 to index
      %get3A_360 = tpu.vector_load %arg8[%get3A_359] {strides = array<i32>} : memref<8192xf32, #tpu.memory_space<vmem>>, vector<16xf32>,
      %get3A_361 = arith.constant 0 : i32
      %get3A_362 = arith.constant 0 : i32
      %get3A_363 = arith.index_cast %get3A_361 : i32 to index
      %get3A_364 = arith.index_cast %get3A_362 : i32 to index
      %get3A_365 = arith.index_cast %multiple_of3A_358 : i32 to index
      %get3A_366 = tpu.vector_load %arg9[%get3A_363, %get3A_364, %get3A_365] {strides = array<i32>} : memref<2x4x8192xf32, #tpu.memory_space<vmem>>, vector<16xf32>,
      %mul3A_367 = arith.mulf %get3A_366, %get3A_360 : vector<16xf32>
      %add3A_368 = arith.addf %scan3A_352, %mul3A_367 : vector<16xf32>
      %get3A_369 = arith.constant 0 : i32
      %get3A_370 = arith.constant 1 : i32
      %get3A_371 = arith.index_cast %get3A_369 : i32 to index
      %get3A_372 = arith.index_cast %get3A_370 : i32 to index
      %get3A_373 = arith.index_cast %multiple_of3A_358 : i32 to index
      %get3A_374 = tpu.vector_load %arg9[%get3A_371, %get3A_372, %get3A_373] {strides = array<i32>} : memref<2x4x8192xf32, #tpu.memory_space<vmem>>, vector<16xf32>,
      %mul3A_375 = arith.mulf %get3A_374, %get3A_360 : vector<16xf32>
      %add3A_376 = arith.addf %scan3A_353, %mul3A_375 : vector<16xf32>
      %get3A_377 = arith.constant 0 : i32
      %get3A_378 = arith.constant 2 : i32
      %get3A_379 = arith.index_cast %get3A_377 : i32 to index
      %get3A_380 = arith.index_cast %get3A_378 : i32 to index
      %get3A_381 = arith.index_cast %multiple_of3A_358 : i32 to index
      %get3A_382 = tpu.vector_load %arg9[%get3A_379, %get3A_380, %get3A_381] {strides = array<i32>} : memref<2x4x8192xf32, #tpu.memory_space<vmem>>, vector<16xf32>,
      %mul3A_383 = arith.mulf %get3A_382, %get3A_360 : vector<16xf32>
      %add3A_384 = arith.addf %scan3A_354, %mul3A_383 : vector<16xf32>
      %get3A_385 = arith.constant 0 : i32
      %get3A_386 = arith.constant 3 : i32
      %get3A_387 = arith.index_cast %get3A_385 : i32 to index
      %get3A_388 = arith.index_cast %get3A_386 : i32 to index
      %get3A_389 = arith.index_cast %multiple_of3A_358 : i32 to index
      %get3A_390 = tpu.vector_load %arg9[%get3A_387, %get3A_388, %get3A_389] {strides = array<i32>} : memref<2x4x8192xf32, #tpu.memory_space<vmem>>, vector<16xf32>,
      %mul3A_391 = arith.mulf %get3A_390, %get3A_360 : vector<16xf32>
      %add3A_392 = arith.addf %scan3A_355, %mul3A_391 : vector<16xf32>
      scf.yield %add3A_368, %add3A_376, %add3A_384, %add3A_392 : vector<16xf32>, vector<16xf32>, vector<16xf32>, vector<16xf32>
    }
    %scan3A_82 = arith.constant 512 : i32
    %broadcast_in_dim3A_83 = arith.constant true
    %broadcast_in_dim3A_84 = vector.broadcast %broadcast_in_dim3A_83 : i1 to vector<16xi1>
    %masked_cumsum3A = tpu.scan <sum>, %scan3A_81#0 masked %broadcast_in_dim3A_84 : vector<16xf32>, vector<16xi1> -> vector<16xf32>
    %slice3A_85 = vector.extract_strided_slice %masked_cumsum3A {offsets = [15], sizes = [1], strides = [1]} : vector<16xf32> to vector<1xf32>
    %squeeze3A_86 = vector.extract %slice3A_85[0] : f32 from vector<1xf32>
    %eq3A = arith.constant 0 : i32
    %eq3A_87 = vector.broadcast %eq3A : i32 to vector<16xi32>
    %eq3A_88 = arith.cmpi eq, %iota3A, %eq3A_87 : vector<16xi32>
    %broadcast_in_dim3A_89 = vector.broadcast %squeeze3A_86 : f32 to vector<16xf32>
    %select_n3A = arith.select %eq3A_88, %broadcast_in_dim3A_89, %broadcast_in_dim3A_57 : vector<16xi1>, vector<16xf32>
    %broadcast_in_dim3A_90 = arith.constant true
    %broadcast_in_dim3A_91 = vector.broadcast %broadcast_in_dim3A_90 : i1 to vector<16xi1>
    %masked_cumsum3A_92 = tpu.scan <sum>, %scan3A_81#1 masked %broadcast_in_dim3A_91 : vector<16xf32>, vector<16xi1> -> vector<16xf32>
    %slice3A_93 = vector.extract_strided_slice %masked_cumsum3A_92 {offsets = [15], sizes = [1], strides = [1]} : vector<16xf32> to vector<1xf32>
    %squeeze3A_94 = vector.extract %slice3A_93[0] : f32 from vector<1xf32>
    %eq3A_95 = arith.constant 1 : i32
    %eq3A_96 = vector.broadcast %eq3A_95 : i32 to vector<16xi32>
    %eq3A_97 = arith.cmpi eq, %iota3A, %eq3A_96 : vector<16xi32>
    %broadcast_in_dim3A_98 = vector.broadcast %squeeze3A_94 : f32 to vector<16xf32>
    %select_n3A_99 = arith.select %eq3A_97, %broadcast_in_dim3A_98, %select_n3A : vector<16xi1>, vector<16xf32>
    %broadcast_in_dim3A_100 = arith.constant true
    %broadcast_in_dim3A_101 = vector.broadcast %broadcast_in_dim3A_100 : i1 to vector<16xi1>
    %masked_cumsum3A_102 = tpu.scan <sum>, %scan3A_81#2 masked %broadcast_in_dim3A_101 : vector<16xf32>, vector<16xi1> -> vector<16xf32>
    %slice3A_103 = vector.extract_strided_slice %masked_cumsum3A_102 {offsets = [15], sizes = [1], strides = [1]} : vector<16xf32> to vector<1xf32>
    %squeeze3A_104 = vector.extract %slice3A_103[0] : f32 from vector<1xf32>
    %eq3A_105 = arith.constant 2 : i32
    %eq3A_106 = vector.broadcast %eq3A_105 : i32 to vector<16xi32>
    %eq3A_107 = arith.cmpi eq, %iota3A, %eq3A_106 : vector<16xi32>
    %broadcast_in_dim3A_108 = vector.broadcast %squeeze3A_104 : f32 to vector<16xf32>
    %select_n3A_109 = arith.select %eq3A_107, %broadcast_in_dim3A_108, %select_n3A_99 : vector<16xi1>, vector<16xf32>
    %broadcast_in_dim3A_110 = arith.constant true
    %broadcast_in_dim3A_111 = vector.broadcast %broadcast_in_dim3A_110 : i1 to vector<16xi1>
    %masked_cumsum3A_112 = tpu.scan <sum>, %scan3A_81#3 masked %broadcast_in_dim3A_111 : vector<16xf32>, vector<16xi1> -> vector<16xf32>
    %slice3A_113 = vector.extract_strided_slice %masked_cumsum3A_112 {offsets = [15], sizes = [1], strides = [1]} : vector<16xf32> to vector<1xf32>
    %squeeze3A_114 = vector.extract %slice3A_113[0] : f32 from vector<1xf32>
    %eq3A_115 = arith.constant 3 : i32
    %eq3A_116 = vector.broadcast %eq3A_115 : i32 to vector<16xi32>
    %eq3A_117 = arith.cmpi eq, %iota3A, %eq3A_116 : vector<16xi32>
    %broadcast_in_dim3A_118 = vector.broadcast %squeeze3A_114 : f32 to vector<16xf32>
    %select_n3A_119 = arith.select %eq3A_117, %broadcast_in_dim3A_118, %select_n3A_109 : vector<16xi1>, vector<16xf32>
    %add3A_120 = arith.constant 2 : i32
    %add3A_121 = arith.addi %add3A_59, %add3A_120 : i32
    %lt3A = arith.constant 4 : i32
    %lt3A_122 = arith.cmpi slt, %add3A_121, %lt3A : i32
    %convert_element_type3A = arith.extui %lt3A_122 : i1 to i32
    %cond3A = arith.constant 0 : i32
    %cond3A_123 = arith.cmpi ne, %convert_element_type3A, %cond3A : i32
    scf.if %cond3A_123 {
      %add3A_351 = arith.constant 2 : i32
      %add3A_352 = arith.addi %add3A_59, %add3A_351 : i32
      %mul3A_353 = arith.constant 4 : i32
      %mul3A_354 = arith.muli %add3A_352, %mul3A_353 : i32
      %add3A_355 = arith.addi %add3A_4, %mul3A_354 : i32
      %dma_start3A_356 = arith.constant 0 : i32
      %dma_start3A_357 = arith.constant 0 : i32
      %dma_start3A_358 = arith.constant 0 : i32
      %dma_start3A_359 = tpu.memref_slice %arg9[%dma_start3A_356, %dma_start3A_357, %dma_start3A_358] : memref<2x4x8192xf32, #tpu.memory_space<vmem>> -> memref<1x4x8192xf32, #tpu.memory_space<vmem>>
      %dma_start3A_360 = tpu.memref_squeeze %dma_start3A_359 : memref<1x4x8192xf32, #tpu.memory_space<vmem>> -> memref<4x8192xf32, #tpu.memory_space<vmem>>
      %dma_start3A_361 = arith.constant 0 : i32
      %dma_start3A_362 = tpu.memref_slice %arg4[%add3A_355, %dma_start3A_361] : memref<4096x8192xf32, #tpu.memory_space<hbm>> -> memref<4x8192xf32, #tpu.memory_space<hbm>>
      %dma_start3A_363 = arith.constant 0 : i32
      %dma_start3A_364 = arith.constant 0 : i32
      %dma_start3A_365 = tpu.memref_slice %arg9[%dma_start3A_356, %dma_start3A_363, %dma_start3A_364] : memref<2x4x8192xf32, #tpu.memory_space<vmem>> -> memref<1x4x8192xf32, #tpu.memory_space<vmem>>
      %dma_start3A_366 = tpu.memref_squeeze %dma_start3A_365 : memref<1x4x8192xf32, #tpu.memory_space<vmem>> -> memref<4x8192xf32, #tpu.memory_space<vmem>>
      %dma_start3A_367 = arith.constant 0 : i32
      %dma_start3A_368 = tpu.memref_slice %arg4[%add3A_355, %dma_start3A_367] : memref<4096x8192xf32, #tpu.memory_space<hbm>> -> memref<4x8192xf32, #tpu.memory_space<hbm>>
      tpu.enqueue_dma source(%dma_start3A_368 : memref<4x8192xf32, #tpu.memory_space<hbm>>) target(%dma_start3A_366 : memref<4x8192xf32, #tpu.memory_space<vmem>>) target_semaphore(%arg11 : memref<!tpu.dma_semaphore, #tpu.memory_space<semaphore_mem>>)
    } else {
    }
    %add3A_124 = arith.constant 1 : i32
    %add3A_125 = arith.addi %mul3A_55, %add3A_124 : i32
    %mul3A_126 = arith.constant 4 : i32
    %mul3A_127 = arith.muli %add3A_125, %mul3A_126 : i32
    %add3A_128 = arith.addi %add3A_4, %mul3A_127 : i32
    %dma_wait3A_129 = arith.constant 1 : i32
    %dma_wait3A_130 = arith.constant 0 : i32
    %dma_wait3A_131 = arith.constant 0 : i32
    %dma_wait3A_132 = tpu.memref_slice %arg9[%dma_wait3A_129, %dma_wait3A_130, %dma_wait3A_131] : memref<2x4x8192xf32, #tpu.memory_space<vmem>> -> memref<1x4x8192xf32, #tpu.memory_space<vmem>>
    %dma_wait3A_133 = tpu.memref_squeeze %dma_wait3A_132 : memref<1x4x8192xf32, #tpu.memory_space<vmem>> -> memref<4x8192xf32, #tpu.memory_space<vmem>>
    %dma_wait3A_134 = arith.constant 0 : i32
    %dma_wait3A_135 = tpu.memref_slice %arg4[%add3A_128, %dma_wait3A_134] : memref<4096x8192xf32, #tpu.memory_space<hbm>> -> memref<4x8192xf32, #tpu.memory_space<hbm>>
    %dma_wait3A_136 = arith.constant 0 : i32
    %dma_wait3A_137 = arith.constant 0 : i32
    %dma_wait3A_138 = tpu.memref_slice %arg9[%dma_wait3A_129, %dma_wait3A_136, %dma_wait3A_137] : memref<2x4x8192xf32, #tpu.memory_space<vmem>> -> memref<1x4x8192xf32, #tpu.memory_space<vmem>>
    %dma_wait3A_139 = tpu.memref_squeeze %dma_wait3A_138 : memref<1x4x8192xf32, #tpu.memory_space<vmem>> -> memref<4x8192xf32, #tpu.memory_space<vmem>>
    %dma_wait3A_140 = arith.constant 0 : i32
    %dma_wait3A_141 = tpu.memref_slice %arg4[%add3A_128, %dma_wait3A_140] : memref<4096x8192xf32, #tpu.memory_space<hbm>> -> memref<4x8192xf32, #tpu.memory_space<hbm>>
    tpu.wait_dma2 semaphore(%arg12 : memref<!tpu.dma_semaphore, #tpu.memory_space<semaphore_mem>>) src(%dma_wait3A_141 : memref<4x8192xf32, #tpu.memory_space<hbm>>) dst(%dma_wait3A_139 : memref<4x8192xf32, #tpu.memory_space<vmem>>)
    %broadcast_in_dim3A_142 = arith.constant 0.000000e+00 : f32
    %broadcast_in_dim3A_143 = vector.broadcast %broadcast_in_dim3A_142 : f32 to vector<16xf32>
    %scan3A_144 = arith.constant 0 : i32
    %scan3A_145 = arith.constant 512 : i32
    %scan3A_146 = arith.addi %scan3A_144, %scan3A_145 : i32
    %scan3A_147 = arith.constant 1 : i32
    %scan3A_148:4 = scf.for %scan3A_351 = %scan3A_144 to %scan3A_146 step %scan3A_147 iter_args(%scan3A_352 = %broadcast_in_dim3A_143, %scan3A_353 = %broadcast_in_dim3A_143, %scan3A_354 = %broadcast_in_dim3A_143, %scan3A_355 = %broadcast_in_dim3A_143) -> (vector<16xf32>, vector<16xf32>, vector<16xf32>, vector<16xf32>)  : i32 {
      %mul3A_356 = arith.constant 16 : i32
      %mul3A_357 = arith.muli %scan3A_351, %mul3A_356 : i32
      %multiple_of3A_358 = tpu.assume_multiple %mul3A_357, 16 : i32
      %get3A_359 = arith.index_cast %multiple_of3A_358 : i32 to index
      %get3A_360 = tpu.vector_load %arg8[%get3A_359] {strides = array<i32>} : memref<8192xf32, #tpu.memory_space<vmem>>, vector<16xf32>,
      %get3A_361 = arith.constant 1 : i32
      %get3A_362 = arith.constant 0 : i32
      %get3A_363 = arith.index_cast %get3A_361 : i32 to index
      %get3A_364 = arith.index_cast %get3A_362 : i32 to index
      %get3A_365 = arith.index_cast %multiple_of3A_358 : i32 to index
      %get3A_366 = tpu.vector_load %arg9[%get3A_363, %get3A_364, %get3A_365] {strides = array<i32>} : memref<2x4x8192xf32, #tpu.memory_space<vmem>>, vector<16xf32>,
      %mul3A_367 = arith.mulf %get3A_366, %get3A_360 : vector<16xf32>
      %add3A_368 = arith.addf %scan3A_352, %mul3A_367 : vector<16xf32>
      %get3A_369 = arith.constant 1 : i32
      %get3A_370 = arith.constant 1 : i32
      %get3A_371 = arith.index_cast %get3A_369 : i32 to index
      %get3A_372 = arith.index_cast %get3A_370 : i32 to index
      %get3A_373 = arith.index_cast %multiple_of3A_358 : i32 to index
      %get3A_374 = tpu.vector_load %arg9[%get3A_371, %get3A_372, %get3A_373] {strides = array<i32>} : memref<2x4x8192xf32, #tpu.memory_space<vmem>>, vector<16xf32>,
      %mul3A_375 = arith.mulf %get3A_374, %get3A_360 : vector<16xf32>
      %add3A_376 = arith.addf %scan3A_353, %mul3A_375 : vector<16xf32>
      %get3A_377 = arith.constant 1 : i32
      %get3A_378 = arith.constant 2 : i32
      %get3A_379 = arith.index_cast %get3A_377 : i32 to index
      %get3A_380 = arith.index_cast %get3A_378 : i32 to index
      %get3A_381 = arith.index_cast %multiple_of3A_358 : i32 to index
      %get3A_382 = tpu.vector_load %arg9[%get3A_379, %get3A_380, %get3A_381] {strides = array<i32>} : memref<2x4x8192xf32, #tpu.memory_space<vmem>>, vector<16xf32>,
      %mul3A_383 = arith.mulf %get3A_382, %get3A_360 : vector<16xf32>
      %add3A_384 = arith.addf %scan3A_354, %mul3A_383 : vector<16xf32>
      %get3A_385 = arith.constant 1 : i32
      %get3A_386 = arith.constant 3 : i32
      %get3A_387 = arith.index_cast %get3A_385 : i32 to index
      %get3A_388 = arith.index_cast %get3A_386 : i32 to index
      %get3A_389 = arith.index_cast %multiple_of3A_358 : i32 to index
      %get3A_390 = tpu.vector_load %arg9[%get3A_387, %get3A_388, %get3A_389] {strides = array<i32>} : memref<2x4x8192xf32, #tpu.memory_space<vmem>>, vector<16xf32>,
      %mul3A_391 = arith.mulf %get3A_390, %get3A_360 : vector<16xf32>
      %add3A_392 = arith.addf %scan3A_355, %mul3A_391 : vector<16xf32>
      scf.yield %add3A_368, %add3A_376, %add3A_384, %add3A_392 : vector<16xf32>, vector<16xf32>, vector<16xf32>, vector<16xf32>
    }
    %scan3A_149 = arith.constant 512 : i32
    %broadcast_in_dim3A_150 = arith.constant true
    %broadcast_in_dim3A_151 = vector.broadcast %broadcast_in_dim3A_150 : i1 to vector<16xi1>
    %masked_cumsum3A_152 = tpu.scan <sum>, %scan3A_148#0 masked %broadcast_in_dim3A_151 : vector<16xf32>, vector<16xi1> -> vector<16xf32>
    %slice3A_153 = vector.extract_strided_slice %masked_cumsum3A_152 {offsets = [15], sizes = [1], strides = [1]} : vector<16xf32> to vector<1xf32>
    %squeeze3A_154 = vector.extract %slice3A_153[0] : f32 from vector<1xf32>
    %eq3A_155 = arith.constant 4 : i32
    %eq3A_156 = vector.broadcast %eq3A_155 : i32 to vector<16xi32>
    %eq3A_157 = arith.cmpi eq, %iota3A, %eq3A_156 : vector<16xi32>
    %broadcast_in_dim3A_158 = vector.broadcast %squeeze3A_154 : f32 to vector<16xf32>
    %select_n3A_159 = arith.select %eq3A_157, %broadcast_in_dim3A_158, %select_n3A_119 : vector<16xi1>, vector<16xf32>
    %broadcast_in_dim3A_160 = arith.constant true
    %broadcast_in_dim3A_161 = vector.broadcast %broadcast_in_dim3A_160 : i1 to vector<16xi1>
    %masked_cumsum3A_162 = tpu.scan <sum>, %scan3A_148#1 masked %broadcast_in_dim3A_161 : vector<16xf32>, vector<16xi1> -> vector<16xf32>
    %slice3A_163 = vector.extract_strided_slice %masked_cumsum3A_162 {offsets = [15], sizes = [1], strides = [1]} : vector<16xf32> to vector<1xf32>
    %squeeze3A_164 = vector.extract %slice3A_163[0] : f32 from vector<1xf32>
    %eq3A_165 = arith.constant 5 : i32
    %eq3A_166 = vector.broadcast %eq3A_165 : i32 to vector<16xi32>
    %eq3A_167 = arith.cmpi eq, %iota3A, %eq3A_166 : vector<16xi32>
    %broadcast_in_dim3A_168 = vector.broadcast %squeeze3A_164 : f32 to vector<16xf32>
    %select_n3A_169 = arith.select %eq3A_167, %broadcast_in_dim3A_168, %select_n3A_159 : vector<16xi1>, vector<16xf32>
    %broadcast_in_dim3A_170 = arith.constant true
    %broadcast_in_dim3A_171 = vector.broadcast %broadcast_in_dim3A_170 : i1 to vector<16xi1>
    %masked_cumsum3A_172 = tpu.scan <sum>, %scan3A_148#2 masked %broadcast_in_dim3A_171 : vector<16xf32>, vector<16xi1> -> vector<16xf32>
    %slice3A_173 = vector.extract_strided_slice %masked_cumsum3A_172 {offsets = [15], sizes = [1], strides = [1]} : vector<16xf32> to vector<1xf32>
    %squeeze3A_174 = vector.extract %slice3A_173[0] : f32 from vector<1xf32>
    %eq3A_175 = arith.constant 6 : i32
    %eq3A_176 = vector.broadcast %eq3A_175 : i32 to vector<16xi32>
    %eq3A_177 = arith.cmpi eq, %iota3A, %eq3A_176 : vector<16xi32>
    %broadcast_in_dim3A_178 = vector.broadcast %squeeze3A_174 : f32 to vector<16xf32>
    %select_n3A_179 = arith.select %eq3A_177, %broadcast_in_dim3A_178, %select_n3A_169 : vector<16xi1>, vector<16xf32>
    %broadcast_in_dim3A_180 = arith.constant true
    %broadcast_in_dim3A_181 = vector.broadcast %broadcast_in_dim3A_180 : i1 to vector<16xi1>
    %masked_cumsum3A_182 = tpu.scan <sum>, %scan3A_148#3 masked %broadcast_in_dim3A_181 : vector<16xf32>, vector<16xi1> -> vector<16xf32>
    %slice3A_183 = vector.extract_strided_slice %masked_cumsum3A_182 {offsets = [15], sizes = [1], strides = [1]} : vector<16xf32> to vector<1xf32>
    %squeeze3A_184 = vector.extract %slice3A_183[0] : f32 from vector<1xf32>
    %eq3A_185 = arith.constant 7 : i32
    %eq3A_186 = vector.broadcast %eq3A_185 : i32 to vector<16xi32>
    %eq3A_187 = arith.cmpi eq, %iota3A, %eq3A_186 : vector<16xi32>
    %broadcast_in_dim3A_188 = vector.broadcast %squeeze3A_184 : f32 to vector<16xf32>
    %select_n3A_189 = arith.select %eq3A_187, %broadcast_in_dim3A_188, %select_n3A_179 : vector<16xi1>, vector<16xf32>
    %add3A_190 = arith.constant 2 : i32
    %add3A_191 = arith.addi %add3A_125, %add3A_190 : i32
    %lt3A_192 = arith.constant 4 : i32
    %lt3A_193 = arith.cmpi slt, %add3A_191, %lt3A_192 : i32
    %convert_element_type3A_194 = arith.extui %lt3A_193 : i1 to i32
    %cond3A_195 = arith.constant 0 : i32
    %cond3A_196 = arith.cmpi ne, %convert_element_type3A_194, %cond3A_195 : i32
    scf.if %cond3A_196 {
      %add3A_351 = arith.constant 2 : i32
      %add3A_352 = arith.addi %add3A_125, %add3A_351 : i32
      %mul3A_353 = arith.constant 4 : i32
      %mul3A_354 = arith.muli %add3A_352, %mul3A_353 : i32
      %add3A_355 = arith.addi %add3A_4, %mul3A_354 : i32
      %dma_start3A_356 = arith.constant 1 : i32
      %dma_start3A_357 = arith.constant 0 : i32
      %dma_start3A_358 = arith.constant 0 : i32
      %dma_start3A_359 = tpu.memref_slice %arg9[%dma_start3A_356, %dma_start3A_357, %dma_start3A_358] : memref<2x4x8192xf32, #tpu.memory_space<vmem>> -> memref<1x4x8192xf32, #tpu.memory_space<vmem>>
      %dma_start3A_360 = tpu.memref_squeeze %dma_start3A_359 : memref<1x4x8192xf32, #tpu.memory_space<vmem>> -> memref<4x8192xf32, #tpu.memory_space<vmem>>
      %dma_start3A_361 = arith.constant 0 : i32
      %dma_start3A_362 = tpu.memref_slice %arg4[%add3A_355, %dma_start3A_361] : memref<4096x8192xf32, #tpu.memory_space<hbm>> -> memref<4x8192xf32, #tpu.memory_space<hbm>>
      %dma_start3A_363 = arith.constant 0 : i32
      %dma_start3A_364 = arith.constant 0 : i32
      %dma_start3A_365 = tpu.memref_slice %arg9[%dma_start3A_356, %dma_start3A_363, %dma_start3A_364] : memref<2x4x8192xf32, #tpu.memory_space<vmem>> -> memref<1x4x8192xf32, #tpu.memory_space<vmem>>
      %dma_start3A_366 = tpu.memref_squeeze %dma_start3A_365 : memref<1x4x8192xf32, #tpu.memory_space<vmem>> -> memref<4x8192xf32, #tpu.memory_space<vmem>>
      %dma_start3A_367 = arith.constant 0 : i32
      %dma_start3A_368 = tpu.memref_slice %arg4[%add3A_355, %dma_start3A_367] : memref<4096x8192xf32, #tpu.memory_space<hbm>> -> memref<4x8192xf32, #tpu.memory_space<hbm>>
      tpu.enqueue_dma source(%dma_start3A_368 : memref<4x8192xf32, #tpu.memory_space<hbm>>) target(%dma_start3A_366 : memref<4x8192xf32, #tpu.memory_space<vmem>>) target_semaphore(%arg12 : memref<!tpu.dma_semaphore, #tpu.memory_space<semaphore_mem>>)
    } else {
    }
    %add3A_197 = arith.constant 2 : i32
    %add3A_198 = arith.addi %mul3A_55, %add3A_197 : i32
    %mul3A_199 = arith.constant 4 : i32
    %mul3A_200 = arith.muli %add3A_198, %mul3A_199 : i32
    %add3A_201 = arith.addi %add3A_4, %mul3A_200 : i32
    %dma_wait3A_202 = arith.constant 0 : i32
    %dma_wait3A_203 = arith.constant 0 : i32
    %dma_wait3A_204 = arith.constant 0 : i32
    %dma_wait3A_205 = tpu.memref_slice %arg9[%dma_wait3A_202, %dma_wait3A_203, %dma_wait3A_204] : memref<2x4x8192xf32, #tpu.memory_space<vmem>> -> memref<1x4x8192xf32, #tpu.memory_space<vmem>>
    %dma_wait3A_206 = tpu.memref_squeeze %dma_wait3A_205 : memref<1x4x8192xf32, #tpu.memory_space<vmem>> -> memref<4x8192xf32, #tpu.memory_space<vmem>>
    %dma_wait3A_207 = arith.constant 0 : i32
    %dma_wait3A_208 = tpu.memref_slice %arg4[%add3A_201, %dma_wait3A_207] : memref<4096x8192xf32, #tpu.memory_space<hbm>> -> memref<4x8192xf32, #tpu.memory_space<hbm>>
    %dma_wait3A_209 = arith.constant 0 : i32
    %dma_wait3A_210 = arith.constant 0 : i32
    %dma_wait3A_211 = tpu.memref_slice %arg9[%dma_wait3A_202, %dma_wait3A_209, %dma_wait3A_210] : memref<2x4x8192xf32, #tpu.memory_space<vmem>> -> memref<1x4x8192xf32, #tpu.memory_space<vmem>>
    %dma_wait3A_212 = tpu.memref_squeeze %dma_wait3A_211 : memref<1x4x8192xf32, #tpu.memory_space<vmem>> -> memref<4x8192xf32, #tpu.memory_space<vmem>>
    %dma_wait3A_213 = arith.constant 0 : i32
    %dma_wait3A_214 = tpu.memref_slice %arg4[%add3A_201, %dma_wait3A_213] : memref<4096x8192xf32, #tpu.memory_space<hbm>> -> memref<4x8192xf32, #tpu.memory_space<hbm>>
    tpu.wait_dma2 semaphore(%arg11 : memref<!tpu.dma_semaphore, #tpu.memory_space<semaphore_mem>>) src(%dma_wait3A_214 : memref<4x8192xf32, #tpu.memory_space<hbm>>) dst(%dma_wait3A_212 : memref<4x8192xf32, #tpu.memory_space<vmem>>)
    %broadcast_in_dim3A_215 = arith.constant 0.000000e+00 : f32
    %broadcast_in_dim3A_216 = vector.broadcast %broadcast_in_dim3A_215 : f32 to vector<16xf32>
    %scan3A_217 = arith.constant 0 : i32
    %scan3A_218 = arith.constant 512 : i32
    %scan3A_219 = arith.addi %scan3A_217, %scan3A_218 : i32
    %scan3A_220 = arith.constant 1 : i32
    %scan3A_221:4 = scf.for %scan3A_351 = %scan3A_217 to %scan3A_219 step %scan3A_220 iter_args(%scan3A_352 = %broadcast_in_dim3A_216, %scan3A_353 = %broadcast_in_dim3A_216, %scan3A_354 = %broadcast_in_dim3A_216, %scan3A_355 = %broadcast_in_dim3A_216) -> (vector<16xf32>, vector<16xf32>, vector<16xf32>, vector<16xf32>)  : i32 {
      %mul3A_356 = arith.constant 16 : i32
      %mul3A_357 = arith.muli %scan3A_351, %mul3A_356 : i32
      %multiple_of3A_358 = tpu.assume_multiple %mul3A_357, 16 : i32
      %get3A_359 = arith.index_cast %multiple_of3A_358 : i32 to index
      %get3A_360 = tpu.vector_load %arg8[%get3A_359] {strides = array<i32>} : memref<8192xf32, #tpu.memory_space<vmem>>, vector<16xf32>,
      %get3A_361 = arith.constant 0 : i32
      %get3A_362 = arith.constant 0 : i32
      %get3A_363 = arith.index_cast %get3A_361 : i32 to index
      %get3A_364 = arith.index_cast %get3A_362 : i32 to index
      %get3A_365 = arith.index_cast %multiple_of3A_358 : i32 to index
      %get3A_366 = tpu.vector_load %arg9[%get3A_363, %get3A_364, %get3A_365] {strides = array<i32>} : memref<2x4x8192xf32, #tpu.memory_space<vmem>>, vector<16xf32>,
      %mul3A_367 = arith.mulf %get3A_366, %get3A_360 : vector<16xf32>
      %add3A_368 = arith.addf %scan3A_352, %mul3A_367 : vector<16xf32>
      %get3A_369 = arith.constant 0 : i32
      %get3A_370 = arith.constant 1 : i32
      %get3A_371 = arith.index_cast %get3A_369 : i32 to index
      %get3A_372 = arith.index_cast %get3A_370 : i32 to index
      %get3A_373 = arith.index_cast %multiple_of3A_358 : i32 to index
      %get3A_374 = tpu.vector_load %arg9[%get3A_371, %get3A_372, %get3A_373] {strides = array<i32>} : memref<2x4x8192xf32, #tpu.memory_space<vmem>>, vector<16xf32>,
      %mul3A_375 = arith.mulf %get3A_374, %get3A_360 : vector<16xf32>
      %add3A_376 = arith.addf %scan3A_353, %mul3A_375 : vector<16xf32>
      %get3A_377 = arith.constant 0 : i32
      %get3A_378 = arith.constant 2 : i32
      %get3A_379 = arith.index_cast %get3A_377 : i32 to index
      %get3A_380 = arith.index_cast %get3A_378 : i32 to index
      %get3A_381 = arith.index_cast %multiple_of3A_358 : i32 to index
      %get3A_382 = tpu.vector_load %arg9[%get3A_379, %get3A_380, %get3A_381] {strides = array<i32>} : memref<2x4x8192xf32, #tpu.memory_space<vmem>>, vector<16xf32>,
      %mul3A_383 = arith.mulf %get3A_382, %get3A_360 : vector<16xf32>
      %add3A_384 = arith.addf %scan3A_354, %mul3A_383 : vector<16xf32>
      %get3A_385 = arith.constant 0 : i32
      %get3A_386 = arith.constant 3 : i32
      %get3A_387 = arith.index_cast %get3A_385 : i32 to index
      %get3A_388 = arith.index_cast %get3A_386 : i32 to index
      %get3A_389 = arith.index_cast %multiple_of3A_358 : i32 to index
      %get3A_390 = tpu.vector_load %arg9[%get3A_387, %get3A_388, %get3A_389] {strides = array<i32>} : memref<2x4x8192xf32, #tpu.memory_space<vmem>>, vector<16xf32>,
      %mul3A_391 = arith.mulf %get3A_390, %get3A_360 : vector<16xf32>
      %add3A_392 = arith.addf %scan3A_355, %mul3A_391 : vector<16xf32>
      scf.yield %add3A_368, %add3A_376, %add3A_384, %add3A_392 : vector<16xf32>, vector<16xf32>, vector<16xf32>, vector<16xf32>
    }
    %scan3A_222 = arith.constant 512 : i32
    %broadcast_in_dim3A_223 = arith.constant true
    %broadcast_in_dim3A_224 = vector.broadcast %broadcast_in_dim3A_223 : i1 to vector<16xi1>
    %masked_cumsum3A_225 = tpu.scan <sum>, %scan3A_221#0 masked %broadcast_in_dim3A_224 : vector<16xf32>, vector<16xi1> -> vector<16xf32>
    %slice3A_226 = vector.extract_strided_slice %masked_cumsum3A_225 {offsets = [15], sizes = [1], strides = [1]} : vector<16xf32> to vector<1xf32>
    %squeeze3A_227 = vector.extract %slice3A_226[0] : f32 from vector<1xf32>
    %eq3A_228 = arith.constant 8 : i32
    %eq3A_229 = vector.broadcast %eq3A_228 : i32 to vector<16xi32>
    %eq3A_230 = arith.cmpi eq, %iota3A, %eq3A_229 : vector<16xi32>
    %broadcast_in_dim3A_231 = vector.broadcast %squeeze3A_227 : f32 to vector<16xf32>
    %select_n3A_232 = arith.select %eq3A_230, %broadcast_in_dim3A_231, %select_n3A_189 : vector<16xi1>, vector<16xf32>
    %broadcast_in_dim3A_233 = arith.constant true
    %broadcast_in_dim3A_234 = vector.broadcast %broadcast_in_dim3A_233 : i1 to vector<16xi1>
    %masked_cumsum3A_235 = tpu.scan <sum>, %scan3A_221#1 masked %broadcast_in_dim3A_234 : vector<16xf32>, vector<16xi1> -> vector<16xf32>
    %slice3A_236 = vector.extract_strided_slice %masked_cumsum3A_235 {offsets = [15], sizes = [1], strides = [1]} : vector<16xf32> to vector<1xf32>
    %squeeze3A_237 = vector.extract %slice3A_236[0] : f32 from vector<1xf32>
    %eq3A_238 = arith.constant 9 : i32
    %eq3A_239 = vector.broadcast %eq3A_238 : i32 to vector<16xi32>
    %eq3A_240 = arith.cmpi eq, %iota3A, %eq3A_239 : vector<16xi32>
    %broadcast_in_dim3A_241 = vector.broadcast %squeeze3A_237 : f32 to vector<16xf32>
    %select_n3A_242 = arith.select %eq3A_240, %broadcast_in_dim3A_241, %select_n3A_232 : vector<16xi1>, vector<16xf32>
    %broadcast_in_dim3A_243 = arith.constant true
    %broadcast_in_dim3A_244 = vector.broadcast %broadcast_in_dim3A_243 : i1 to vector<16xi1>
    %masked_cumsum3A_245 = tpu.scan <sum>, %scan3A_221#2 masked %broadcast_in_dim3A_244 : vector<16xf32>, vector<16xi1> -> vector<16xf32>
    %slice3A_246 = vector.extract_strided_slice %masked_cumsum3A_245 {offsets = [15], sizes = [1], strides = [1]} : vector<16xf32> to vector<1xf32>
    %squeeze3A_247 = vector.extract %slice3A_246[0] : f32 from vector<1xf32>
    %eq3A_248 = arith.constant 10 : i32
    %eq3A_249 = vector.broadcast %eq3A_248 : i32 to vector<16xi32>
    %eq3A_250 = arith.cmpi eq, %iota3A, %eq3A_249 : vector<16xi32>
    %broadcast_in_dim3A_251 = vector.broadcast %squeeze3A_247 : f32 to vector<16xf32>
    %select_n3A_252 = arith.select %eq3A_250, %broadcast_in_dim3A_251, %select_n3A_242 : vector<16xi1>, vector<16xf32>
    %broadcast_in_dim3A_253 = arith.constant true
    %broadcast_in_dim3A_254 = vector.broadcast %broadcast_in_dim3A_253 : i1 to vector<16xi1>
    %masked_cumsum3A_255 = tpu.scan <sum>, %scan3A_221#3 masked %broadcast_in_dim3A_254 : vector<16xf32>, vector<16xi1> -> vector<16xf32>
    %slice3A_256 = vector.extract_strided_slice %masked_cumsum3A_255 {offsets = [15], sizes = [1], strides = [1]} : vector<16xf32> to vector<1xf32>
    %squeeze3A_257 = vector.extract %slice3A_256[0] : f32 from vector<1xf32>
    %eq3A_258 = arith.constant 11 : i32
    %eq3A_259 = vector.broadcast %eq3A_258 : i32 to vector<16xi32>
    %eq3A_260 = arith.cmpi eq, %iota3A, %eq3A_259 : vector<16xi32>
    %broadcast_in_dim3A_261 = vector.broadcast %squeeze3A_257 : f32 to vector<16xf32>
    %select_n3A_262 = arith.select %eq3A_260, %broadcast_in_dim3A_261, %select_n3A_252 : vector<16xi1>, vector<16xf32>
    %add3A_263 = arith.constant 2 : i32
    %add3A_264 = arith.addi %add3A_198, %add3A_263 : i32
    %lt3A_265 = arith.constant 4 : i32
    %lt3A_266 = arith.cmpi slt, %add3A_264, %lt3A_265 : i32
    %convert_element_type3A_267 = arith.extui %lt3A_266 : i1 to i32
    %cond3A_268 = arith.constant 0 : i32
    %cond3A_269 = arith.cmpi ne, %convert_element_type3A_267, %cond3A_268 : i32
    scf.if %cond3A_269 {
      %add3A_351 = arith.constant 2 : i32
      %add3A_352 = arith.addi %add3A_198, %add3A_351 : i32
      %mul3A_353 = arith.constant 4 : i32
      %mul3A_354 = arith.muli %add3A_352, %mul3A_353 : i32
      %add3A_355 = arith.addi %add3A_4, %mul3A_354 : i32
      %dma_start3A_356 = arith.constant 0 : i32
      %dma_start3A_357 = arith.constant 0 : i32
      %dma_start3A_358 = arith.constant 0 : i32
      %dma_start3A_359 = tpu.memref_slice %arg9[%dma_start3A_356, %dma_start3A_357, %dma_start3A_358] : memref<2x4x8192xf32, #tpu.memory_space<vmem>> -> memref<1x4x8192xf32, #tpu.memory_space<vmem>>
      %dma_start3A_360 = tpu.memref_squeeze %dma_start3A_359 : memref<1x4x8192xf32, #tpu.memory_space<vmem>> -> memref<4x8192xf32, #tpu.memory_space<vmem>>
      %dma_start3A_361 = arith.constant 0 : i32
      %dma_start3A_362 = tpu.memref_slice %arg4[%add3A_355, %dma_start3A_361] : memref<4096x8192xf32, #tpu.memory_space<hbm>> -> memref<4x8192xf32, #tpu.memory_space<hbm>>
      %dma_start3A_363 = arith.constant 0 : i32
      %dma_start3A_364 = arith.constant 0 : i32
      %dma_start3A_365 = tpu.memref_slice %arg9[%dma_start3A_356, %dma_start3A_363, %dma_start3A_364] : memref<2x4x8192xf32, #tpu.memory_space<vmem>> -> memref<1x4x8192xf32, #tpu.memory_space<vmem>>
      %dma_start3A_366 = tpu.memref_squeeze %dma_start3A_365 : memref<1x4x8192xf32, #tpu.memory_space<vmem>> -> memref<4x8192xf32, #tpu.memory_space<vmem>>
      %dma_start3A_367 = arith.constant 0 : i32
      %dma_start3A_368 = tpu.memref_slice %arg4[%add3A_355, %dma_start3A_367] : memref<4096x8192xf32, #tpu.memory_space<hbm>> -> memref<4x8192xf32, #tpu.memory_space<hbm>>
      tpu.enqueue_dma source(%dma_start3A_368 : memref<4x8192xf32, #tpu.memory_space<hbm>>) target(%dma_start3A_366 : memref<4x8192xf32, #tpu.memory_space<vmem>>) target_semaphore(%arg11 : memref<!tpu.dma_semaphore, #tpu.memory_space<semaphore_mem>>)
    } else {
    }
    %add3A_270 = arith.constant 3 : i32
    %add3A_271 = arith.addi %mul3A_55, %add3A_270 : i32
    %mul3A_272 = arith.constant 4 : i32
    %mul3A_273 = arith.muli %add3A_271, %mul3A_272 : i32
    %add3A_274 = arith.addi %add3A_4, %mul3A_273 : i32
    %dma_wait3A_275 = arith.constant 1 : i32
    %dma_wait3A_276 = arith.constant 0 : i32
    %dma_wait3A_277 = arith.constant 0 : i32
    %dma_wait3A_278 = tpu.memref_slice %arg9[%dma_wait3A_275, %dma_wait3A_276, %dma_wait3A_277] : memref<2x4x8192xf32, #tpu.memory_space<vmem>> -> memref<1x4x8192xf32, #tpu.memory_space<vmem>>
    %dma_wait3A_279 = tpu.memref_squeeze %dma_wait3A_278 : memref<1x4x8192xf32, #tpu.memory_space<vmem>> -> memref<4x8192xf32, #tpu.memory_space<vmem>>
    %dma_wait3A_280 = arith.constant 0 : i32
    %dma_wait3A_281 = tpu.memref_slice %arg4[%add3A_274, %dma_wait3A_280] : memref<4096x8192xf32, #tpu.memory_space<hbm>> -> memref<4x8192xf32, #tpu.memory_space<hbm>>
    %dma_wait3A_282 = arith.constant 0 : i32
    %dma_wait3A_283 = arith.constant 0 : i32
    %dma_wait3A_284 = tpu.memref_slice %arg9[%dma_wait3A_275, %dma_wait3A_282, %dma_wait3A_283] : memref<2x4x8192xf32, #tpu.memory_space<vmem>> -> memref<1x4x8192xf32, #tpu.memory_space<vmem>>
    %dma_wait3A_285 = tpu.memref_squeeze %dma_wait3A_284 : memref<1x4x8192xf32, #tpu.memory_space<vmem>> -> memref<4x8192xf32, #tpu.memory_space<vmem>>
    %dma_wait3A_286 = arith.constant 0 : i32
    %dma_wait3A_287 = tpu.memref_slice %arg4[%add3A_274, %dma_wait3A_286] : memref<4096x8192xf32, #tpu.memory_space<hbm>> -> memref<4x8192xf32, #tpu.memory_space<hbm>>
    tpu.wait_dma2 semaphore(%arg12 : memref<!tpu.dma_semaphore, #tpu.memory_space<semaphore_mem>>) src(%dma_wait3A_287 : memref<4x8192xf32, #tpu.memory_space<hbm>>) dst(%dma_wait3A_285 : memref<4x8192xf32, #tpu.memory_space<vmem>>)
    %broadcast_in_dim3A_288 = arith.constant 0.000000e+00 : f32
    %broadcast_in_dim3A_289 = vector.broadcast %broadcast_in_dim3A_288 : f32 to vector<16xf32>
    %scan3A_290 = arith.constant 0 : i32
    %scan3A_291 = arith.constant 512 : i32
    %scan3A_292 = arith.addi %scan3A_290, %scan3A_291 : i32
    %scan3A_293 = arith.constant 1 : i32
    %scan3A_294:4 = scf.for %scan3A_351 = %scan3A_290 to %scan3A_292 step %scan3A_293 iter_args(%scan3A_352 = %broadcast_in_dim3A_289, %scan3A_353 = %broadcast_in_dim3A_289, %scan3A_354 = %broadcast_in_dim3A_289, %scan3A_355 = %broadcast_in_dim3A_289) -> (vector<16xf32>, vector<16xf32>, vector<16xf32>, vector<16xf32>)  : i32 {
      %mul3A_356 = arith.constant 16 : i32
      %mul3A_357 = arith.muli %scan3A_351, %mul3A_356 : i32
      %multiple_of3A_358 = tpu.assume_multiple %mul3A_357, 16 : i32
      %get3A_359 = arith.index_cast %multiple_of3A_358 : i32 to index
      %get3A_360 = tpu.vector_load %arg8[%get3A_359] {strides = array<i32>} : memref<8192xf32, #tpu.memory_space<vmem>>, vector<16xf32>,
      %get3A_361 = arith.constant 1 : i32
      %get3A_362 = arith.constant 0 : i32
      %get3A_363 = arith.index_cast %get3A_361 : i32 to index
      %get3A_364 = arith.index_cast %get3A_362 : i32 to index
      %get3A_365 = arith.index_cast %multiple_of3A_358 : i32 to index
      %get3A_366 = tpu.vector_load %arg9[%get3A_363, %get3A_364, %get3A_365] {strides = array<i32>} : memref<2x4x8192xf32, #tpu.memory_space<vmem>>, vector<16xf32>,
      %mul3A_367 = arith.mulf %get3A_366, %get3A_360 : vector<16xf32>
      %add3A_368 = arith.addf %scan3A_352, %mul3A_367 : vector<16xf32>
      %get3A_369 = arith.constant 1 : i32
      %get3A_370 = arith.constant 1 : i32
      %get3A_371 = arith.index_cast %get3A_369 : i32 to index
      %get3A_372 = arith.index_cast %get3A_370 : i32 to index
      %get3A_373 = arith.index_cast %multiple_of3A_358 : i32 to index
      %get3A_374 = tpu.vector_load %arg9[%get3A_371, %get3A_372, %get3A_373] {strides = array<i32>} : memref<2x4x8192xf32, #tpu.memory_space<vmem>>, vector<16xf32>,
      %mul3A_375 = arith.mulf %get3A_374, %get3A_360 : vector<16xf32>
      %add3A_376 = arith.addf %scan3A_353, %mul3A_375 : vector<16xf32>
      %get3A_377 = arith.constant 1 : i32
      %get3A_378 = arith.constant 2 : i32
      %get3A_379 = arith.index_cast %get3A_377 : i32 to index
      %get3A_380 = arith.index_cast %get3A_378 : i32 to index
      %get3A_381 = arith.index_cast %multiple_of3A_358 : i32 to index
      %get3A_382 = tpu.vector_load %arg9[%get3A_379, %get3A_380, %get3A_381] {strides = array<i32>} : memref<2x4x8192xf32, #tpu.memory_space<vmem>>, vector<16xf32>,
      %mul3A_383 = arith.mulf %get3A_382, %get3A_360 : vector<16xf32>
      %add3A_384 = arith.addf %scan3A_354, %mul3A_383 : vector<16xf32>
      %get3A_385 = arith.constant 1 : i32
      %get3A_386 = arith.constant 3 : i32
      %get3A_387 = arith.index_cast %get3A_385 : i32 to index
      %get3A_388 = arith.index_cast %get3A_386 : i32 to index
      %get3A_389 = arith.index_cast %multiple_of3A_358 : i32 to index
      %get3A_390 = tpu.vector_load %arg9[%get3A_387, %get3A_388, %get3A_389] {strides = array<i32>} : memref<2x4x8192xf32, #tpu.memory_space<vmem>>, vector<16xf32>,
      %mul3A_391 = arith.mulf %get3A_390, %get3A_360 : vector<16xf32>
      %add3A_392 = arith.addf %scan3A_355, %mul3A_391 : vector<16xf32>
      scf.yield %add3A_368, %add3A_376, %add3A_384, %add3A_392 : vector<16xf32>, vector<16xf32>, vector<16xf32>, vector<16xf32>
    }
    %scan3A_295 = arith.constant 512 : i32
    %broadcast_in_dim3A_296 = arith.constant true
    %broadcast_in_dim3A_297 = vector.broadcast %broadcast_in_dim3A_296 : i1 to vector<16xi1>
    %masked_cumsum3A_298 = tpu.scan <sum>, %scan3A_294#0 masked %broadcast_in_dim3A_297 : vector<16xf32>, vector<16xi1> -> vector<16xf32>
    %slice3A_299 = vector.extract_strided_slice %masked_cumsum3A_298 {offsets = [15], sizes = [1], strides = [1]} : vector<16xf32> to vector<1xf32>
    %squeeze3A_300 = vector.extract %slice3A_299[0] : f32 from vector<1xf32>
    %eq3A_301 = arith.constant 12 : i32
    %eq3A_302 = vector.broadcast %eq3A_301 : i32 to vector<16xi32>
    %eq3A_303 = arith.cmpi eq, %iota3A, %eq3A_302 : vector<16xi32>
    %broadcast_in_dim3A_304 = vector.broadcast %squeeze3A_300 : f32 to vector<16xf32>
    %select_n3A_305 = arith.select %eq3A_303, %broadcast_in_dim3A_304, %select_n3A_262 : vector<16xi1>, vector<16xf32>
    %broadcast_in_dim3A_306 = arith.constant true
    %broadcast_in_dim3A_307 = vector.broadcast %broadcast_in_dim3A_306 : i1 to vector<16xi1>
    %masked_cumsum3A_308 = tpu.scan <sum>, %scan3A_294#1 masked %broadcast_in_dim3A_307 : vector<16xf32>, vector<16xi1> -> vector<16xf32>
    %slice3A_309 = vector.extract_strided_slice %masked_cumsum3A_308 {offsets = [15], sizes = [1], strides = [1]} : vector<16xf32> to vector<1xf32>
    %squeeze3A_310 = vector.extract %slice3A_309[0] : f32 from vector<1xf32>
    %eq3A_311 = arith.constant 13 : i32
    %eq3A_312 = vector.broadcast %eq3A_311 : i32 to vector<16xi32>
    %eq3A_313 = arith.cmpi eq, %iota3A, %eq3A_312 : vector<16xi32>
    %broadcast_in_dim3A_314 = vector.broadcast %squeeze3A_310 : f32 to vector<16xf32>
    %select_n3A_315 = arith.select %eq3A_313, %broadcast_in_dim3A_314, %select_n3A_305 : vector<16xi1>, vector<16xf32>
    %broadcast_in_dim3A_316 = arith.constant true
    %broadcast_in_dim3A_317 = vector.broadcast %broadcast_in_dim3A_316 : i1 to vector<16xi1>
    %masked_cumsum3A_318 = tpu.scan <sum>, %scan3A_294#2 masked %broadcast_in_dim3A_317 : vector<16xf32>, vector<16xi1> -> vector<16xf32>
    %slice3A_319 = vector.extract_strided_slice %masked_cumsum3A_318 {offsets = [15], sizes = [1], strides = [1]} : vector<16xf32> to vector<1xf32>
    %squeeze3A_320 = vector.extract %slice3A_319[0] : f32 from vector<1xf32>
    %eq3A_321 = arith.constant 14 : i32
    %eq3A_322 = vector.broadcast %eq3A_321 : i32 to vector<16xi32>
    %eq3A_323 = arith.cmpi eq, %iota3A, %eq3A_322 : vector<16xi32>
    %broadcast_in_dim3A_324 = vector.broadcast %squeeze3A_320 : f32 to vector<16xf32>
    %select_n3A_325 = arith.select %eq3A_323, %broadcast_in_dim3A_324, %select_n3A_315 : vector<16xi1>, vector<16xf32>
    %broadcast_in_dim3A_326 = arith.constant true
    %broadcast_in_dim3A_327 = vector.broadcast %broadcast_in_dim3A_326 : i1 to vector<16xi1>
    %masked_cumsum3A_328 = tpu.scan <sum>, %scan3A_294#3 masked %broadcast_in_dim3A_327 : vector<16xf32>, vector<16xi1> -> vector<16xf32>
    %slice3A_329 = vector.extract_strided_slice %masked_cumsum3A_328 {offsets = [15], sizes = [1], strides = [1]} : vector<16xf32> to vector<1xf32>
    %squeeze3A_330 = vector.extract %slice3A_329[0] : f32 from vector<1xf32>
    %eq3A_331 = arith.constant 15 : i32
    %eq3A_332 = vector.broadcast %eq3A_331 : i32 to vector<16xi32>
    %eq3A_333 = arith.cmpi eq, %iota3A, %eq3A_332 : vector<16xi32>
    %broadcast_in_dim3A_334 = vector.broadcast %squeeze3A_330 : f32 to vector<16xf32>
    %select_n3A_335 = arith.select %eq3A_333, %broadcast_in_dim3A_334, %select_n3A_325 : vector<16xi1>, vector<16xf32>
    %add3A_336 = arith.constant 2 : i32
    %add3A_337 = arith.addi %add3A_271, %add3A_336 : i32
    %lt3A_338 = arith.constant 4 : i32
    %lt3A_339 = arith.cmpi slt, %add3A_337, %lt3A_338 : i32
    %convert_element_type3A_340 = arith.extui %lt3A_339 : i1 to i32
    %cond3A_341 = arith.constant 0 : i32
    %cond3A_342 = arith.cmpi ne, %convert_element_type3A_340, %cond3A_341 : i32
    scf.if %cond3A_342 {
      %add3A_351 = arith.constant 2 : i32
      %add3A_352 = arith.addi %add3A_271, %add3A_351 : i32
      %mul3A_353 = arith.constant 4 : i32
      %mul3A_354 = arith.muli %add3A_352, %mul3A_353 : i32
      %add3A_355 = arith.addi %add3A_4, %mul3A_354 : i32
      %dma_start3A_356 = arith.constant 1 : i32
      %dma_start3A_357 = arith.constant 0 : i32
      %dma_start3A_358 = arith.constant 0 : i32
      %dma_start3A_359 = tpu.memref_slice %arg9[%dma_start3A_356, %dma_start3A_357, %dma_start3A_358] : memref<2x4x8192xf32, #tpu.memory_space<vmem>> -> memref<1x4x8192xf32, #tpu.memory_space<vmem>>
      %dma_start3A_360 = tpu.memref_squeeze %dma_start3A_359 : memref<1x4x8192xf32, #tpu.memory_space<vmem>> -> memref<4x8192xf32, #tpu.memory_space<vmem>>
      %dma_start3A_361 = arith.constant 0 : i32
      %dma_start3A_362 = tpu.memref_slice %arg4[%add3A_355, %dma_start3A_361] : memref<4096x8192xf32, #tpu.memory_space<hbm>> -> memref<4x8192xf32, #tpu.memory_space<hbm>>
      %dma_start3A_363 = arith.constant 0 : i32
      %dma_start3A_364 = arith.constant 0 : i32
      %dma_start3A_365 = tpu.memref_slice %arg9[%dma_start3A_356, %dma_start3A_363, %dma_start3A_364] : memref<2x4x8192xf32, #tpu.memory_space<vmem>> -> memref<1x4x8192xf32, #tpu.memory_space<vmem>>
      %dma_start3A_366 = tpu.memref_squeeze %dma_start3A_365 : memref<1x4x8192xf32, #tpu.memory_space<vmem>> -> memref<4x8192xf32, #tpu.memory_space<vmem>>
      %dma_start3A_367 = arith.constant 0 : i32
      %dma_start3A_368 = tpu.memref_slice %arg4[%add3A_355, %dma_start3A_367] : memref<4096x8192xf32, #tpu.memory_space<hbm>> -> memref<4x8192xf32, #tpu.memory_space<hbm>>
      tpu.enqueue_dma source(%dma_start3A_368 : memref<4x8192xf32, #tpu.memory_space<hbm>>) target(%dma_start3A_366 : memref<4x8192xf32, #tpu.memory_space<vmem>>) target_semaphore(%arg12 : memref<!tpu.dma_semaphore, #tpu.memory_space<semaphore_mem>>)
    } else {
    }
    %mul3A_343 = arith.constant 4 : i32
    %mul3A_344 = arith.muli %mul3A_55, %mul3A_343 : i32
    %multiple_of3A = tpu.assume_multiple %mul3A_344, 16 : i32
    %max3A = arith.constant 9.99999997E-7 : f32
    %max3A_345 = vector.broadcast %max3A : f32 to vector<16xf32>
    %max3A_346 = arith.maximumf %select_n3A_335, %max3A_345 : vector<16xf32>
    %swap3A = arith.index_cast %multiple_of3A : i32 to index
    %swap3A_347 = tpu.vector_load %arg10[%swap3A] {strides = array<i32>} : memref<16xf32, #tpu.memory_space<vmem>>, vector<16xf32>,
    tpu.vector_store %arg10[%swap3A], %max3A_346 {strides = array<i32>} : memref<16xf32, #tpu.memory_space<vmem>>, vector<16xf32>,
    %scan3A_348 = arith.constant 1 : i32
    %mul3A_349 = arith.constant 16 : i32
    %mul3A_350 = arith.muli %add3A, %mul3A_349 : i32
    "tpu.region"() ({
      %run_scoped3A = tpu.sem_alloc : memref<!tpu.dma_semaphore, #tpu.memory_space<semaphore_mem>>
      %dma_start3A_351 = tpu.memref_slice %arg5[%mul3A_350] : memref<512xf32, #tpu.memory_space<hbm>> -> memref<16xf32, #tpu.memory_space<hbm>>
      %dma_start3A_352 = tpu.memref_slice %arg5[%mul3A_350] : memref<512xf32, #tpu.memory_space<hbm>> -> memref<16xf32, #tpu.memory_space<hbm>>
      tpu.enqueue_dma source(%arg10 : memref<16xf32, #tpu.memory_space<vmem>>) target(%dma_start3A_352 : memref<16xf32, #tpu.memory_space<hbm>>) target_semaphore(%run_scoped3A : memref<!tpu.dma_semaphore, #tpu.memory_space<semaphore_mem>>)
      %dma_wait3A_353 = tpu.memref_slice %arg5[%mul3A_350] : memref<512xf32, #tpu.memory_space<hbm>> -> memref<16xf32, #tpu.memory_space<hbm>>
      %dma_wait3A_354 = tpu.memref_slice %arg5[%mul3A_350] : memref<512xf32, #tpu.memory_space<hbm>> -> memref<16xf32, #tpu.memory_space<hbm>>
      tpu.wait_dma2 semaphore(%run_scoped3A : memref<!tpu.dma_semaphore, #tpu.memory_space<semaphore_mem>>) src(%arg10 : memref<16xf32, #tpu.memory_space<vmem>>) dst(%dma_wait3A_354 : memref<16xf32, #tpu.memory_space<hbm>>)
      tpu.yield
    }) : () -> ()
    return
  }
}

module attributes {stable_mosaic.version = 14 : i64} {
  func.func @_tc_mv_body(%arg0: i32, %arg1: memref<2xf32, #tpu.memory_space<smem>>, %arg2: memref<2x8192xf32, #tpu.memory_space<vmem>>, %arg3: memref<256x8192xf32, #tpu.memory_space<vmem>>, %arg4: memref<1x1x256xf32, #tpu.memory_space<vmem>>, %arg5: memref<1x8192xf32, #tpu.memory_space<vmem>>) attributes {dimension_semantics = [#tpu.dimension_semantics<arbitrary>], iteration_bounds = array<i64: 14>, scalar_prefetch = 0 : i64, scratch_operands = 1 : i64, tpu.core_type = #tpu.core_type<tc>, window_params = [{transform_indices = @transform_0, window_bounds = array<i64: 2>}, {pipeline_mode = #tpu.pipeline_mode<synchronous>, transform_indices = @transform_1, window_bounds = array<i64: 2, 8192>}, {transform_indices = @transform_2, window_bounds = array<i64: 256, 8192>}, {transform_indices = @transform_3, window_bounds = array<i64: 1, 1, 256>}]} {
    %eq3A = arith.constant 0 : i32
    %eq3A_0 = arith.cmpi eq, %arg0, %eq3A : i32
    %convert_element_type3A = arith.extui %eq3A_0 : i1 to i32
    %cond3A = arith.constant 0 : i32
    %cond3A_1 = arith.cmpi ne, %convert_element_type3A, %cond3A : i32
    scf.if %cond3A_1 {
      %get3A_17 = arith.constant 0 : index
      %get3A_18 = memref.load %arg1[%get3A_17] : memref<2xf32, #tpu.memory_space<smem>>
      %get3A_19 = arith.constant 1 : index
      %get3A_20 = memref.load %arg1[%get3A_19] : memref<2xf32, #tpu.memory_space<smem>>
      %sub3A = arith.constant 1.000000e+00 : f32
      %sub3A_21 = arith.subf %sub3A, %get3A_18 : f32
      %get3A_22 = arith.constant 0 : index
      %get3A_23 = arith.constant 0 : index
      %get3A_24 = vector.load %arg2[%get3A_22, %get3A_23] : memref<2x8192xf32, #tpu.memory_space<vmem>>, vector<1x8192xf32>
      %get3A_25 = vector.shape_cast %get3A_24 : vector<1x8192xf32> to vector<8192xf32>
      %get3A_26 = arith.constant 1 : index
      %get3A_27 = arith.constant 0 : index
      %get3A_28 = vector.load %arg2[%get3A_26, %get3A_27] : memref<2x8192xf32, #tpu.memory_space<vmem>>, vector<1x8192xf32>
      %get3A_29 = vector.shape_cast %get3A_28 : vector<1x8192xf32> to vector<8192xf32>
      %log3A = math.log %get3A_29 : vector<8192xf32>
      %mul3A_30 = vector.broadcast %sub3A_21 : f32 to vector<8192xf32>
      %mul3A_31 = arith.mulf %mul3A_30, %log3A : vector<8192xf32>
      %exp3A = math.exp %mul3A_31 : vector<8192xf32>
      %log3A_32 = math.log %get3A_25 : vector<8192xf32>
      %mul3A_33 = vector.broadcast %sub3A_21 : f32 to vector<8192xf32>
      %mul3A_34 = arith.mulf %mul3A_33, %log3A_32 : vector<8192xf32>
      %exp3A_35 = math.exp %mul3A_34 : vector<8192xf32>
      %sub3A_36 = arith.subf %exp3A, %exp3A_35 : vector<8192xf32>
      %mul3A_37 = vector.broadcast %get3A_20 : f32 to vector<8192xf32>
      %mul3A_38 = arith.mulf %mul3A_37, %sub3A_36 : vector<8192xf32>
      %div3A = vector.broadcast %sub3A_21 : f32 to vector<8192xf32>
      %div3A_39 = arith.divf %mul3A_38, %div3A : vector<8192xf32>
      %swap3A_40 = arith.constant 0 : index
      %swap3A_41 = arith.constant 0 : index
      %swap3A_42 = vector.load %arg5[%swap3A_40, %swap3A_41] : memref<1x8192xf32, #tpu.memory_space<vmem>>, vector<1x8192xf32>
      %swap3A_43 = vector.shape_cast %swap3A_42 : vector<1x8192xf32> to vector<8192xf32>
      %swap3A_44 = vector.shape_cast %div3A_39 : vector<8192xf32> to vector<1x8192xf32>
      tpu.vector_store %arg5[%swap3A_40, %swap3A_41], %swap3A_44 {strides = array<i32>} : memref<1x8192xf32, #tpu.memory_space<vmem>>, vector<1x8192xf32>,
    } else {
    }
    %get3A = arith.constant 0 : index
    %get3A_2 = arith.constant 0 : index
    %get3A_3 = vector.load %arg3[%get3A, %get3A_2] : memref<256x8192xf32, #tpu.memory_space<vmem>>, vector<256x8192xf32>
    %get3A_4 = arith.constant 0 : index
    %get3A_5 = arith.constant 0 : index
    %get3A_6 = vector.load %arg5[%get3A_4, %get3A_5] : memref<1x8192xf32, #tpu.memory_space<vmem>>, vector<1x8192xf32>
    %get3A_7 = vector.shape_cast %get3A_6 : vector<1x8192xf32> to vector<8192xf32>
    %broadcast_in_dim3A = vector.shape_cast %get3A_7 : vector<8192xf32> to vector<1x8192xf32>
    %mul3A = vector.broadcast %broadcast_in_dim3A : vector<1x8192xf32> to vector<256x8192xf32>
    %mul3A_8 = arith.mulf %get3A_3, %mul3A : vector<256x8192xf32>
    %reduce_sum3A = arith.constant dense<0.000000e+00> : vector<256xf32>
    %reduce_sum3A_9 = vector.multi_reduction <add>, %mul3A_8, %reduce_sum3A [1] : vector<256x8192xf32> to vector<256xf32>
    %max3A = arith.constant 9.99999997E-7 : f32
    %max3A_10 = vector.broadcast %max3A : f32 to vector<256xf32>
    %max3A_11 = arith.maximumf %reduce_sum3A_9, %max3A_10 : vector<256xf32>
    %swap3A = arith.constant 0 : index
    %swap3A_12 = arith.constant 0 : index
    %swap3A_13 = arith.constant 0 : index
    %swap3A_14 = vector.load %arg4[%swap3A, %swap3A_12, %swap3A_13] : memref<1x1x256xf32, #tpu.memory_space<vmem>>, vector<1x1x256xf32>
    %swap3A_15 = vector.shape_cast %swap3A_14 : vector<1x1x256xf32> to vector<256xf32>
    %swap3A_16 = vector.shape_cast %max3A_11 : vector<256xf32> to vector<1x1x256xf32>
    tpu.vector_store %arg4[%swap3A, %swap3A_12, %swap3A_13], %swap3A_16 {strides = array<i32>} : memref<1x1x256xf32, #tpu.memory_space<vmem>>, vector<1x1x256xf32>,
    return
  }
  func.func @transform_0(%arg0: i32) -> i32 {
    %c0_i32 = arith.constant 0 : i32
    %c0_i32_0 = arith.constant 0 : i32
    return %c0_i32 : i32
  }
  func.func @transform_1(%arg0: i32) -> (i32, i32) {
    %c0_i32 = arith.constant 0 : i32
    %c0_i32_0 = arith.constant 0 : i32
    %c0_i32_1 = arith.constant 0 : i32
    return %c0_i32, %c0_i32_0 : i32, i32
  }
  func.func @transform_2(%arg0: i32) -> (i32, i32) {
    %c0_i32 = arith.constant 0 : i32
    %c0_i32_0 = arith.constant 0 : i32
    return %arg0, %c0_i32 : i32, i32
  }
  func.func @transform_3(%arg0: i32) -> (i32, i32, i32) {
    %c0_i32 = arith.constant 0 : i32
    %c0_i32_0 = arith.constant 0 : i32
    %c0_i32_1 = arith.constant 0 : i32
    return %arg0, %c0_i32, %c0_i32_0 : i32, i32, i32
  }
}

</mosaic_0001>

<sc_bundles>
// kernel: kernel.4.cloned.1.call-start
scs
__scs_entry_jumppad:
0x0: {  	(pc) =	sbr.rel $0x88, $3  }
0x1: {  	(tag) =	ssettag $0x0;
	lr =	simm.s32 $0x1  }
0x2: {  	[smem:$0x3F9E] =	sst lr;
	_ =	strace $0xD0000000  }
0x3: {  	_ = 	snop  }
0x4: {  	_ = 	snop  }
0x5: {  	_ = 	snop  }
0x6: {  	_ = 	snop  }
0x7: {  	_ = 	snop  }
__scs_overlays_trampoline_lowered:
0x8: {  	[smem:$0x3FAD] =	sst s0  }
0x9: {  	[smem:$0x3FAE] =	sst s1  }
0xa: {  	[smem:$0x3FAF] =	sst s2  }
0xb: {  	[smem:$0x3FB0] =	sst s3  }
0xc: {  	[smem:$0x3FB1] =	sst s4  }
0xd: {  	[smem:$0x3FB2] =	sst s5  }
0xe: {  	[smem:$0x3FB3] =	sst s6  }
0xf: {  	[smem:$0x3FB4] =	sst s7  }
0x10: {  	[smem:$0x3FB5] =	sst s8  }
0x11: {  	[smem:$0x3FB6] =	sst s9;
	s0 =	simm.s32 @!p0 $0x0  }
0x12: {  	s1 =	sld [smem:$0x3F9C];
	s0 =	simm.s32 @p0 $0x1  }
0x13: {  	[smem:$0x3FB7] =	sst s0;
	s0 =	simm.s32 @!p1 $0x0  }
0x14: {  	s2 =	sld [smem:$0x3F9B];
	s0 =	simm.s32 @p1 $0x1  }
0x15: {  	[smem:$0x3FB8] =	sst s0;
	s0 =	simm.s32 @!p2 $0x0  }
0x16: {  	s3 =	sld [smem:$0x3FDB];
	s0 =	simm.s32 @p2 $0x1  }
0x17: {  	s4 =	simm.s32 $0x1BF5;
	[smem:$0x3FBA] =	sst s0  }
0x18: {  	s0 =	sld [smem:$0x3F9D];
	_ =	swait.ge [sflag:s4], $0x0  }
0x19: {  	s7 =	sld [smem:$0x3F9E]  }
0x1a: {  	s8 =	sadd.s32 $0xFFFFE003, lr  }
0x1b: {  	s9 =	sadd.s32 $0xFFFFFEF7, lr;
	s5 =	simm.s32 $0xFFFFFFFF;
	p2 =	slt.u32 s8, $0xFFFFF086  }
0x1c: {  	p1 =	slt.u32 s9, $0xF7A;
	s5 =	simm.s32 @!p2 $0x0  }
0x1d: {  	s5 =	simm.s32 @p1 $0x1;
	p0 =	seq.s32 s7, s2  }
0x1e: {  	s7 =	smul.u32 @!p0 $0xF7A, s2;
	p2 =	seq.s32 @!p0 s5, $0x0  }
0x1f: {  	s9 =	smul.u32 $0xF7A, s1;
	s8 =	simm.s32 @!p0 $0x1BF5;
	p2 =	por !p2, p0  }
0x20: {  	[sflag:s8] =	ssyncset.s32 @!p0 $0xFFFFF086;
	s6 =	sadd.s32 @!p0 s3, s7;
	s7 =	simm.s32 @!p0 $0x108  }
0x21: {  	s3 =	sadd.s32 s3, s9;
	s6 =	sadd.s32 @!p0 $0x88, s6;
	s7 =	simm.s32 @p2 $0x1082  }
0x22: {  	[simem:s7], [sflag:s8] =	dma.local @!p0 [hbm:s6], $0xF7A  }
0x23: {  	s9 =	sor.u32 $0xD0000000, s2;
	s6 =	simm.s32 $0x108;
	_ =	swait.ge @!p0 [sflag:s8], $0x0  }
0x24: {  	s3 =	sadd.s32 $0x88, s3;
	s6 =	simm.s32 @!p1 $0x1082;
	[sflag:s4] =	ssyncset.s32 $0xFFFFF086  }
0x25: {  	[simem:s6], [sflag:s4] =	dma.local [hbm:s3], $0xF7A  }
0x26: {  	[smem:$0x3F9E] =	sst s1;
	(tag) =	ssettag s2;
	_ =	strace s9  }
0x27: {  	s1 =	sld [smem:$0x3FAE]  }
0x28: {  	s2 =	sld [smem:$0x3FAF]  }
0x29: {  	s4 =	sld [smem:$0x3FB1]  }
0x2a: {  	p0 =	seq.s32 s5, $0x0;
	s5 =	sld [smem:$0x3FB2]  }
0x2b: {  	s6 =	sld [smem:$0x3FB3]  }
0x2c: {  	s7 =	sld [smem:$0x3FB4]  }
0x2d: {  	s3 =	simm.s32 $0x108;
	s8 =	sld [smem:$0x3FB5]  }
0x2e: {  	s3 =	simm.s32 @!p0 $0x1082;
	s9 =	sld [smem:$0x3FB6]  }
0x2f: {  	lr =	sadd.s32 s0, s3;
	s0 =	sld [smem:$0x3FAD]  }
0x30: {  	s3 =	sld [smem:$0x3FB0]  }
0x31: {  	[smem:$0x3FB9] =	sst s10  }
0x32: {  	s10 =	sld [smem:$0x3FB7];
	_ =	sdelay $0x3  }
0x33: {  	p0 =	seq.s32 s10, $0x1;
	s10 =	sld [smem:$0x3FB9];
	_ =	sdelay $0x3  }
0x34: {  	[smem:$0x3FB9] =	sst s10  }
0x35: {  	s10 =	sld [smem:$0x3FB8];
	_ =	sdelay $0x3  }
0x36: {  	p1 =	seq.s32 s10, $0x1;
	s10 =	sld [smem:$0x3FB9];
	_ =	sdelay $0x3  }
0x37: {  	[smem:$0x3FB9] =	sst s10  }
0x38: {  	s10 =	sld [smem:$0x3FBA]  }
0x39: {  	_ = 	snop;
	(pc) =	sbr.ind lr, $3  }
0x3a: {  	_ = 	snop  }
0x3b: {  	_ = 	snop  }
0x3c: {  	p2 =	seq.s32 s10, $0x1;
	s10 =	sld [smem:$0x3FB9]  }
0x3d: {  	_ =	shalt  }
0x3e: {  	_ =	shalt  }
0x3f: {  	_ =	shalt  }
0x40: {  	_ =	shalt  }
0x41: {  	_ =	shalt  }
0x42: {  	_ =	shalt  }
0x43: {  	_ =	shalt  }
0x44: {  	_ =	shalt  }
0x45: {  	_ =	shalt  }
0x46: {  	_ =	shalt  }
0x47: {  	_ =	shalt  }
0x48: {  	_ =	shalt  }
0x49: {  	_ =	shalt  }
0x4a: {  	_ =	shalt  }
0x4b: {  	_ =	shalt  }
0x4c: {  	_ =	shalt  }
0x4d: {  	_ =	shalt  }
0x4e: {  	_ =	shalt  }
0x4f: {  	_ =	shalt  }
0x50: {  	_ =	shalt  }
0x51: {  	_ =	shalt  }
0x52: {  	_ =	shalt  }
0x53: {  	_ =	shalt  }
0x54: {  	_ =	shalt  }
0x55: {  	_ =	shalt  }
0x56: {  	_ =	shalt  }
0x57: {  	_ =	shalt  }
0x58: {  	_ =	shalt  }
0x59: {  	_ =	shalt  }
0x5a: {  	_ =	shalt  }
0x5b: {  	_ =	shalt  }
0x5c: {  	_ =	shalt  }
0x5d: {  	_ =	shalt  }
0x5e: {  	_ =	shalt  }
0x5f: {  	_ =	shalt  }
0x60: {  	_ =	shalt  }
0x61: {  	_ =	shalt  }
0x62: {  	_ =	shalt  }
0x63: {  	_ =	shalt  }
0x64: {  	_ =	shalt  }
0x65: {  	_ =	shalt  }
0x66: {  	_ =	shalt  }
0x67: {  	_ =	shalt  }
0x68: {  	_ =	shalt  }
0x69: {  	_ =	shalt  }
0x6a: {  	_ =	shalt  }
0x6b: {  	_ =	shalt  }
0x6c: {  	_ =	shalt  }
0x6d: {  	_ =	shalt  }
0x6e: {  	_ =	shalt  }
0x6f: {  	_ =	shalt  }
0x70: {  	_ =	shalt  }
0x71: {  	_ =	shalt  }
0x72: {  	_ =	shalt  }
0x73: {  	_ =	shalt  }
0x74: {  	_ =	shalt  }
0x75: {  	_ =	shalt  }
0x76: {  	_ =	shalt  }
0x77: {  	_ =	shalt  }
0x78: {  	_ =	shalt  }
0x79: {  	_ =	shalt  }
0x7a: {  	_ =	shalt  }
0x7b: {  	_ =	shalt  }
0x7c: {  	_ =	shalt  }
0x7d: {  	_ =	shalt  }
0x7e: {  	_ =	shalt  }
0x7f: {  	_ =	shalt  }
0x80: {  	_ =	shalt  }
0x81: {  	_ =	shalt  }
0x82: {  	_ =	shalt  }
0x83: {  	_ =	shalt  }
0x84: {  	_ =	shalt  }
0x85: {  	_ =	shalt  }
0x86: {  	_ =	shalt  }
0x87: {  	_ =	shalt  }
.Lfunc_end0:
.L_simem_size_0:
called_computation_lowered:
.L_overlay_start_0:
0x88: {  	s2 =	sld [smem:$0x3FD9]  }
0x89: {  	s3 =	sld [smem:$0x3FFE];
	_ =	sdelay $0x1  }
0x8a: {  	s1 =	srdreg.scid  }
0x8b: {  	s0 =	sand.u32 $0x1, s1  }
0x8c: {  	s17 =	sshll.u32 s0, $0xA;
	s2 =	sadd.s32 s3, s2  }
0x8d: {  	s2 =	sadd.s32 s2, s17  }
0x8e: {  	[smem:$0x3FC5] =	sst s2  }
0x8f: {  	_ = 	snop  }
0x90: {  	s2 =	sld [smem:$0x3FC8]  }
0x91: {  	s18 =	sld [smem:$0x3FC7]  }
0x92: {  	s4 =	sld [smem:$0x3FD0];
	(tm) =	ssettm $0x1  }
0x93: {  	s5 =	sld [smem:$0x3FFB];
	_ =	sdelay $0x3  }
0x94: {  	_ =	strace s5  }
0x95: {  	s5 =	sld [smem:$0x3FFC];
	_ =	sdelay $0x3  }
0x96: {  	_ =	strace s5  }
0x97: {  	s5 =	sld [smem:$0x3FFD];
	_ =	sdelay $0x3  }
0x98: {  	_ =	strace s5  }
0x99: {  	_ =	strace $0x8FFFFFFF  }
0x9a: {  	s19 =	sld [smem:$0x3FDB];
	_ =	sdelay $0x1  }
0x9b: {  	s6 =	simm.s32 $_scs_section_size  }
0x9c: {  	s7 =	simm.s32 $_size__tile_overlayer_lowered;
	s8 =	simm.s32 $_tile_overlayer_lowered  }
0x9d: {  	s22 =	simm.s32 $0x1BFF;
	s21 =	sshll.u32 s8, $0x1;
	s5 =	sadd.s32 s6, s19  }
0x9e: {  	s9 =	simm.s32 $0x0;
	s20 =	sshll.u32 s7, $0x1;
	s7 =	sadd.s32 s21, s5  }
0x9f: {  	[timem:s9], [sflag:s22] =	dma.local [hbm:s7], s20  }
0xa0: {  	_ =	swait.ge [sflag:s22], s20  }
0xa1: {  	s6 =	ssub.s32 $0x0, s20;
	[sflag:s22] =	ssyncset.done $0x0  }
0xa2: {  	[sflag:s22] =	ssyncadd.s32 s6;
	_ =	sdelay $0x1  }
0xa3: {  	s23 =	simm.s32 $0x1B8B  }
0xa4: {  	_ =	swait.ge [sflag:s23], $0x1  }
0xa5: {  	[sflag:s23] =	ssyncset.done $0x0  }
0xa6: {  	s25 =	simm.s32 $0x1B8E;
	s24 =	sld [smem:$0x3FFE];
	[sflag:s23] =	ssyncadd.s32 $0xFFFFFFFF  }
0xa7: {  	s26 =	simm.s32 $execute0_lowered;
	[smem:$0x3FD2] =	sst s25  }
0xa8: {  	s7 =	sshll.u32 s26, $0x1;
	_ =	strace $0x80000046;
	[dreg:$0x1] =	wrdreg $0xFFFFFFFF  }
0xa9: {  	s28 =	simm.s32 $_size_execute0_lowered;
	s5 =	sadd.s32 s5, s7;
	[dreg:$0x0] =	wrdreg $0x0  }
0xaa: {  	s7 =	sshll.u32 s28, $0x1;
	[dreg:$0x2] =	wrdreg s5  }
0xab: {  	[dreg:$0x3] =	wrdreg s7  }
0xac: {  	[dreg:$0x4] =	wrdreg $0xC0  }
0xad: {  	_ =	task [dreg:s9], $0x5FFFF  }
0xae: {  	[dreg:$0x1] =	wrdreg $0xFFFFFFFF  }
0xaf: {  	[dreg:$0x0] =	wrdreg $0x60  }
0xb0: {  	[dreg:$0x2] =	wrdreg s4  }
0xb1: {  	[dreg:$0x3] =	wrdreg s2  }
0xb2: {  	[dreg:$0x4] =	wrdreg s18  }
0xb3: {  	[dreg:$0x5] =	wrdreg s24  }
0xb4: {  	[dreg:$0x6] =	wrdreg $0x9  }
0xb5: {  	_ =	task.clear_ibuf [dreg:s9], $0x7FFFF;
	_ =	strace $0x90000046  }
0xb6: {  	s29 =	simm.s32 $0x9;
	_ =	strace $0x80000048  }
0xb7: {  	_ =	swait.ge [sflag:s29], $0x1  }
0xb8: {  	[sflag:s29] =	ssyncadd.s32 $0xFFFFFFFF  }
0xb9: {  	_ =	strace $0x90000048  }
0xba: {  	_ =	sfence  }
0xbb: {  	s30 =	sld [smem:$0x0];
	_ =	sdelay $0x2  }
0xbc: {  	s31 =	sshll.u32 s1, $0xD;
	s1 =	sshrl.u32 s1, $0x2  }
0xbd: {  	s3 =	sand.u32 $0x4000, s31;
	s1 =	sadd.s32 s1, s30  }
0xbe: {  	s0 =	sor.u32 s3, s0;
	s1 =	sshll.u32 s1, $0x11  }
0xbf: {  	s0 =	sor.u32 s1, s0  }
0xc0: {  	s0 =	sadd.s32 $0x8F2B, s0  }
0xc1: {  	[sflag:s0] =	ssyncadd.remote.s32 $0x1  }
0xc2: {  	_ =	sfence.sel $0xFFFF  }
0xc3: {  	[dreg:$0x0] =	wrdreg $0xFFFFFFFF;
	(pc) =	sbr.abs _section_cstart, $3  }
0xc4: {  	[dreg:$0x1] =	wrdreg $0xFFFFFFFF  }
0xc5: {  	_ =	task.clear_ibuf [dreg:s9], $0x2FFFF;
	_ =	strace $0x9FFFFFFF  }
0xc6: {  	(tm) =	ssettm $0x7FFFFFFF  }
0xc7: {  	_ =	shalt  }
tec
execute0_lowered:
.L_overlay_start_1:
0x0: {  	(tag) =	ssettag $0x1  }
0x1: {  	s1 =	rddreg [dreg:$0x0]  }
0x2: {  	s2 =	rddreg [dreg:$0x1]  }
0x3: {  	s5 =	rddreg [dreg:$0x2]  }
0x4: {  	s6 =	rddreg [dreg:$0x3];
	s4 =	srdreg.scid  }
0x5: {  	s0 =	rddreg [dreg:$0x4];
	s3 =	stileid.u32  }
0x6: {  	s12 =	simm.s32 $0x400;
	s13 =	simm.s32 $0x6080;
	s14 =	simm.s32 $0xE080  }
0x7: {  	s15 =	simm.s32 $0x3;
	s16 =	simm.s32 $0x80;
	s17 =	simm.s32 $0x1  }
0x8: {  	s18 =	simm.s32 $0x2;
	s19 =	simm.s32 $0x16080;
	s20 =	simm.s32 $0x0  }
0x9: {  	s7 =	sand.u32 $0x1, s4;
	s4 =	simm.s32 $0x0;
	s8 =	sshll.u32 s3, $0x5  }
0xa: {  	s9 =	sshll.u32 s7, $0x4;
	[smem:$0x7FF] =	sst s4;
	s7 =	ssub.s32 $0x2, s7  }
0xb: {  	vm0 =	vmmov $0x1;
	vm1 =	vmmov $0x3;
	vm2 =	vmmov $0x7;
	s8 =	sor.u32 s9, s8;
	_ =	strace $0x80000047;
	s10 =	sshrl.u32 s7, $0x1  }
0xc: {  	vm3 =	vmmov $0xf;
	vm4 =	vmmov $0x1f;
	vm5 =	vmmov $0x3f;
	s9 =	sshll.u32 s8, $0xA;
	s8 =	sshrl.u32 s8, $0x3;
	s10 =	ssub.s32 s7, s10  }
0xd: {  	vm6 =	vmmov $0x7f;
	vm7 =	vmmov $0xff;
	vm8 =	vmmov $0x1ff;
	s9 =	sadd.s32 s9, s5;
	s11 =	sadd.s32 s8, s6;
	s10 =	smax.u32 s10, $0x1  }
0xe: {  	vm9 =	vmmov $0x3ff;
	vm10 =	vmmov $0x7ff;
	vm11 =	vmmov $0xfff;
	s5 =	sadd.s32 $0x380040, s9;
	s6 =	sadd.s32 $0x380000, s9;
	s7 =	sadd.s32 $0x382000, s9  }
0xf: {  	vm12 =	vmmov $0x1fff;
	vm13 =	vmmov $0x3fff;
	vm14 =	vmmov $0x7fff;
	s8 =	sadd.s32 $0x382040, s9;
	s9 =	sadd.s32 $0x400, s11;
	s11 =	simm.s32 $0x200  }
.LBB2_1:
0x10: {  	[tilespmem:s13], [sflag:$0x1] =	stream.strided.gather [hbm4b:s6+s11], $0x8000, s12, s11, $0x38;
	[tilespmem:$0x16100] =	vst v63  }
0x11: {  	_ = 	snop  }
0x12: {  	[tilespmem:s14], [sflag:$0x2] =	stream.strided.gather [hbm4b:s5+s11], $0x8000, s12, s11, $0x38;
	[tilespmem:$0x16100] =	vst v63  }
0x13: {  	_ = 	snop  }
0x14: {  	[tilespmem:s4], [sflag:$0x3] =	stream.linear.gather [hbm4b:s1+s4], $0x80, $0x38;
	[tilespmem:$0x16100] =	vst v63  }
0x15: {  	_ =	swait.ge [sflag:s15], $0x80  }
0x16: {  	[sflag:s15] =	ssyncset.done $0x0  }
0x17: {  	[sflag:s15] =	ssyncadd.s32 $0xFFFFFF80  }
0x18: {  	[tilespmem:s16], [sflag:$0x3] =	stream.linear.gather [hbm4b:s2+s4], $0x4000, $0x38;
	[tilespmem:$0x16100] =	vst v63  }
0x19: {  	_ =	swait.ge [sflag:s15], $0x4000  }
0x1a: {  	[sflag:s15] =	ssyncset.done $0x0  }
0x1b: {  	[sflag:s15] =	ssyncadd.s32 $0xFFFFC000  }
0x1c: {  	v1 =	vld [tilespmem:$0x0];
	_ =	sdelay $0x4  }
0x1d: {  	(v2sf) =	vpush v1, $0x0;
	_ =	sdelay $0x8  }
0x1e: {  	s21 =	sand.u32 $0x70, s4;
	s22 =	sand.u32 $0x3F00, s4  }
0x1f: {  	s21 =	sor.u32 s21, s22  }
0x20: {  	v0 =	vld [tilespmem:s21+$0x100]  }
0x21: {  	v2 =	vld [tilespmem:s21+$0x80];
	_ =	sdelay $0x2  }
0x22: {  	s31 =	spop (v2sf)  }
0x23: {  	v3 =	vand.u32 $0x7FFFFF, v0;
	s21 =	ssub.f32 $1.000000000e+00, s31  }
0x24: {  	v4 =	vand.u32 $0x7FFFFF, v2;
	v3 =	vor.u32 $0x3F800000, v3  }
0x25: {  	v4 =	vor.u32 $0x3F800000, v4;
	v6 =	vadd.f32 $1.000000000e+00, v3;
	v5 =	vmov s21  }
0x26: {  	v60 =	vadd.f32 $1.000000000e+00, v4;
	(erf) = vrcp.f32 v5  }
0x27: {  	(erf) = vrcp.f32 v6  }
0x28: {  	(erf) = vrcp.f32 v60;
	_ =	sdelay $0x6  }
0x29: {  	v3 =	vadd.f32 $-1.000000000e+00, v3;
	v61 =	vpop (erf)  }
0x2a: {  	v4 =	vadd.f32 $-1.000000000e+00, v4;
	v6 =	vpop (erf)  }
0x2b: {  	v3 =	vmul.f32 v6, v3;
	v62 =	vpop (erf)  }
0x2c: {  	v4 =	vmul.f32 v62, v4  }
0x2d: {  	v63 =	vmul.f32 v3, v3  }
0x2e: {  	v7 =	vmul.f32 v4, v4  }
0x2f: {  	v8 =	vmul.f32 $9.090909360e-02, v63  }
0x30: {  	v9 =	vmul.f32 $9.090909360e-02, v7  }
0x31: {  	v8 =	vadd.f32 $1.111111120e-01, v8  }
0x32: {  	v9 =	vadd.f32 $1.111111120e-01, v9  }
0x33: {  	v8 =	vmul.f32 v8, v63  }
0x34: {  	v9 =	vmul.f32 v9, v7  }
0x35: {  	v8 =	vadd.f32 $1.428571490e-01, v8  }
0x36: {  	v9 =	vadd.f32 $1.428571490e-01, v9  }
0x37: {  	v8 =	vmul.f32 v8, v63  }
0x38: {  	v9 =	vmul.f32 v9, v7  }
0x39: {  	v8 =	vadd.f32 $2.000000030e-01, v8  }
0x3a: {  	v9 =	vadd.f32 $2.000000030e-01, v9  }
0x3b: {  	v8 =	vmul.f32 v8, v63  }
0x3c: {  	v9 =	vmul.f32 v9, v7  }
0x3d: {  	v8 =	vadd.f32 $3.333333430e-01, v8  }
0x3e: {  	v9 =	vadd.f32 $3.333333430e-01, v9  }
0x3f: {  	v6 =	vmul.f32 v8, v63  }
0x40: {  	v7 =	vmul.f32 v9, v7  }
0x41: {  	v6 =	vadd.f32 $1.000000000e+00, v6  }
0x42: {  	v7 =	vadd.f32 $1.000000000e+00, v7  }
0x43: {  	v0 =	vshrl.u32 v0, $0x17;
	v3 =	vmul.f32 v6, v3  }
0x44: {  	v2 =	vshrl.u32 v2, $0x17;
	v0 =	vadd.s32 $0xFFFFFF81, v0;
	v4 =	vmul.f32 v7, v4  }
0x45: {  	v2 =	vadd.s32 $0xFFFFFF81, v2;
	v0 =	vcvt.s32.f32 v0;
	v3 =	vmul.f32 $2.885390040e+00, v3  }
0x46: {  	v2 =	vcvt.s32.f32 v2;
	s21 =	smul.f32 $6.931471820e-01, s21;
	v4 =	vmul.f32 $2.885390040e+00, v4  }
0x47: {  	v3 =	vadd.f32 v0, v3  }
0x48: {  	v0 =	vmov s21;
	v2 =	vadd.f32 v2, v4  }
0x49: {  	v3 =	vmul.f32 v3, v0  }
0x4a: {  	v2 =	vmul.f32 v2, v0  }
0x4b: {  	v3 =	vmul.f32 $1.442695020e+00, v3  }
0x4c: {  	v2 =	vmul.f32 $1.442695020e+00, v2  }
0x4d: {  	(erf) = vpow2.f32 v3  }
0x4e: {  	(erf) = vpow2.f32 v2;
	_ =	sdelay $0x5  }
0x4f: {  	v1 =	vadd.f32 $0.0e+00, v1;
	_ =	sdelay $0x1  }
0x50: {  	v1 =	vbroadcast v1, $0x1;
	v2 =	vpop (erf)  }
0x51: {  	v3 =	vpop (erf)  }
0x52: {  	v1 =	vmul.f32 v61, v1;
	v2 =	vsub.f32 v2, v3;
	_ =	sdelay $0x1  }
0x53: {  	s23 =	simm.s32 $0x10;
	s22 =	simm.s32 $0x20;
	v2 =	vmul.f32 v2, v1  }
0x54: {  	s23 =	sand.u32 $0x70, s23;
	s24 =	sand.u32 $0x3F00, s22;
	s21 =	simm.s32 $0x4080  }
0x55: {  	s24 =	sor.u32 s23, s24;
	s23 =	simm.s32 $0x20;
	[tilespmem:s21+$0x0] =	vst v2  }
.LBB2_2:
0x56: {  	p0 =	sne.s32 s23, $0x1FF0;
	v2 =	vld [tilespmem:s24+$0x100]  }
0x57: {  	v3 =	vld [tilespmem:s24+$0x80];
	_ =	sdelay $0x3  }
0x58: {  	v4 =	vand.u32 $0x7FFFFF, v2  }
0x59: {  	v4 =	vor.u32 $0x3F800000, v4;
	v5 =	vand.u32 $0x7FFFFF, v3  }
0x5a: {  	v6 =	vadd.f32 $1.000000000e+00, v4;
	v5 =	vor.u32 $0x3F800000, v5  }
0x5b: {  	v7 =	vadd.f32 $1.000000000e+00, v5  }
0x5c: {  	(erf) = vrcp.f32 v6  }
0x5d: {  	(erf) = vrcp.f32 v7;
	_ =	sdelay $0x6  }
0x5e: {  	v4 =	vadd.f32 $-1.000000000e+00, v4  }
0x5f: {  	v5 =	vadd.f32 $-1.000000000e+00, v5;
	v6 =	vpop (erf)  }
0x60: {  	v4 =	vmul.f32 v6, v4;
	v6 =	vpop (erf)  }
0x61: {  	v5 =	vmul.f32 v6, v5  }
0x62: {  	v6 =	vmul.f32 v4, v4  }
0x63: {  	v7 =	vmul.f32 v5, v5  }
0x64: {  	v8 =	vmul.f32 $9.090909360e-02, v6  }
0x65: {  	v9 =	vmul.f32 $9.090909360e-02, v7  }
0x66: {  	v8 =	vadd.f32 $1.111111120e-01, v8  }
0x67: {  	v9 =	vadd.f32 $1.111111120e-01, v9  }
0x68: {  	v8 =	vmul.f32 v8, v6  }
0x69: {  	v9 =	vmul.f32 v9, v7  }
0x6a: {  	v8 =	vadd.f32 $1.428571490e-01, v8  }
0x6b: {  	v9 =	vadd.f32 $1.428571490e-01, v9  }
0x6c: {  	v8 =	vmul.f32 v8, v6  }
0x6d: {  	v9 =	vmul.f32 v9, v7  }
0x6e: {  	v8 =	vadd.f32 $2.000000030e-01, v8  }
0x6f: {  	v9 =	vadd.f32 $2.000000030e-01, v9  }
0x70: {  	v8 =	vmul.f32 v8, v6  }
0x71: {  	v9 =	vmul.f32 v9, v7  }
0x72: {  	v8 =	vadd.f32 $3.333333430e-01, v8  }
0x73: {  	v9 =	vadd.f32 $3.333333430e-01, v9  }
0x74: {  	v6 =	vmul.f32 v8, v6  }
0x75: {  	v7 =	vmul.f32 v9, v7  }
0x76: {  	v6 =	vadd.f32 $1.000000000e+00, v6  }
0x77: {  	v7 =	vadd.f32 $1.000000000e+00, v7  }
0x78: {  	v2 =	vshrl.u32 v2, $0x17;
	v4 =	vmul.f32 v6, v4  }
0x79: {  	v2 =	vadd.s32 $0xFFFFFF81, v2;
	v3 =	vshrl.u32 v3, $0x17;
	v5 =	vmul.f32 v7, v5  }
0x7a: {  	v2 =	vcvt.s32.f32 v2;
	v3 =	vadd.s32 $0xFFFFFF81, v3;
	v4 =	vmul.f32 $2.885390040e+00, v4  }
0x7b: {  	v3 =	vcvt.s32.f32 v3;
	v5 =	vmul.f32 $2.885390040e+00, v5  }
0x7c: {  	v2 =	vadd.f32 v2, v4  }
0x7d: {  	v3 =	vadd.f32 v3, v5  }
0x7e: {  	v2 =	vmul.f32 v2, v0  }
0x7f: {  	v3 =	vmul.f32 v3, v0  }
0x80: {  	v2 =	vmul.f32 $1.442695020e+00, v2  }
0x81: {  	v3 =	vmul.f32 $1.442695020e+00, v3  }
0x82: {  	(erf) = vpow2.f32 v2  }
0x83: {  	(erf) = vpow2.f32 v3;
	_ =	sdelay $0x7  }
0x84: {  	v2 =	vpop (erf)  }
0x85: {  	v3 =	vpop (erf)  }
.Ltmp0:
0x86: {  	v2 =	vsub.f32 v2, v3;
	(pc) =	sbr.rel @p0 .LBB2_2-.Ltmp0, $4  }
0x87: {  	_ = 	snop  }
0x88: {  	s22 =	sadd.s32 $0x20, s22;
	v2 =	vmul.f32 v2, v1  }
0x89: {  	s21 =	sadd.s32 $0x10, s21;
	s24 =	sand.u32 $0x70, s23;
	s25 =	sand.u32 $0x3F00, s22  }
0x8a: {  	s23 =	sadd.s32 $0x10, s23;
	s24 =	sor.u32 s24, s25;
	[tilespmem:s21+$0x0] =	vst v2  }
0x8b: {  	v2 =	vld [tilespmem:s24+$0x100]  }
0x8c: {  	v3 =	vld [tilespmem:s24+$0x80];
	_ =	sdelay $0x3  }
0x8d: {  	v4 =	vand.u32 $0x7FFFFF, v2  }
0x8e: {  	v5 =	vand.u32 $0x7FFFFF, v3;
	v4 =	vor.u32 $0x3F800000, v4  }
0x8f: {  	v5 =	vor.u32 $0x3F800000, v5;
	v6 =	vadd.f32 $1.000000000e+00, v4  }
0x90: {  	v7 =	vadd.f32 $1.000000000e+00, v5  }
0x91: {  	(erf) = vrcp.f32 v6  }
0x92: {  	(erf) = vrcp.f32 v7;
	_ =	sdelay $0x6  }
0x93: {  	v4 =	vadd.f32 $-1.000000000e+00, v4  }
0x94: {  	v5 =	vadd.f32 $-1.000000000e+00, v5;
	v6 =	vpop (erf)  }
0x95: {  	v4 =	vmul.f32 v6, v4;
	v6 =	vpop (erf)  }
0x96: {  	v5 =	vmul.f32 v6, v5  }
0x97: {  	v6 =	vmul.f32 v4, v4  }
0x98: {  	v7 =	vmul.f32 v5, v5  }
0x99: {  	v8 =	vmul.f32 $9.090909360e-02, v6  }
0x9a: {  	v9 =	vmul.f32 $9.090909360e-02, v7  }
0x9b: {  	v8 =	vadd.f32 $1.111111120e-01, v8  }
0x9c: {  	v9 =	vadd.f32 $1.111111120e-01, v9  }
0x9d: {  	v8 =	vmul.f32 v8, v6  }
0x9e: {  	v9 =	vmul.f32 v9, v7  }
0x9f: {  	v8 =	vadd.f32 $1.428571490e-01, v8  }
0xa0: {  	v9 =	vadd.f32 $1.428571490e-01, v9  }
0xa1: {  	v8 =	vmul.f32 v8, v6  }
0xa2: {  	v9 =	vmul.f32 v9, v7  }
0xa3: {  	v8 =	vadd.f32 $2.000000030e-01, v8  }
0xa4: {  	v9 =	vadd.f32 $2.000000030e-01, v9  }
0xa5: {  	v8 =	vmul.f32 v8, v6  }
0xa6: {  	v9 =	vmul.f32 v9, v7  }
0xa7: {  	v8 =	vadd.f32 $3.333333430e-01, v8  }
0xa8: {  	v9 =	vadd.f32 $3.333333430e-01, v9  }
0xa9: {  	v6 =	vmul.f32 v8, v6  }
0xaa: {  	v7 =	vmul.f32 v9, v7  }
0xab: {  	v6 =	vadd.f32 $1.000000000e+00, v6  }
0xac: {  	v7 =	vadd.f32 $1.000000000e+00, v7  }
0xad: {  	v2 =	vshrl.u32 v2, $0x17;
	v4 =	vmul.f32 v6, v4  }
0xae: {  	v3 =	vshrl.u32 v3, $0x17;
	v2 =	vadd.s32 $0xFFFFFF81, v2;
	v5 =	vmul.f32 v7, v5  }
0xaf: {  	v3 =	vadd.s32 $0xFFFFFF81, v3;
	v2 =	vcvt.s32.f32 v2;
	v4 =	vmul.f32 $2.885390040e+00, v4  }
0xb0: {  	v3 =	vcvt.s32.f32 v3;
	v5 =	vmul.f32 $2.885390040e+00, v5  }
0xb1: {  	v2 =	vadd.f32 v2, v4  }
0xb2: {  	v3 =	vadd.f32 v3, v5  }
0xb3: {  	v2 =	vmul.f32 v2, v0  }
0xb4: {  	v0 =	vmul.f32 v3, v0  }
0xb5: {  	v2 =	vmul.f32 $1.442695020e+00, v2  }
0xb6: {  	v0 =	vmul.f32 $1.442695020e+00, v0  }
0xb7: {  	(erf) = vpow2.f32 v2  }
0xb8: {  	(erf) = vpow2.f32 v0;
	_ =	sdelay $0x7  }
0xb9: {  	v0 =	vpop (erf)  }
0xba: {  	v2 =	vpop (erf)  }
0xbb: {  	v0 =	vsub.f32 v0, v2;
	_ =	sdelay $0x1  }
0xbc: {  	v0 =	vmul.f32 v0, v1  }
0xbd: {  	s21 =	sadd.s32 $0x10, s21  }
0xbe: {  	[tilespmem:s21+$0x0] =	vst v0  }
0xbf: {  	_ =	swait.ge [sflag:s17], $0x8000  }
0xc0: {  	s26 =	simm.s32 $0x0;
	s23 =	simm.s32 $0x0;
	[sflag:s17] =	ssyncset.done $0x0  }
0xc1: {  	s22 =	sand.u32 $0x70, s26;
	s21 =	sand.u32 $0x7E00, s26;
	[sflag:s17] =	ssyncadd.s32 $0xFFFF8000  }
0xc2: {  	s21 =	sor.u32 s22, s21;
	v6 =	vld [tilespmem:s23+$0x4080]  }
0xc3: {  	v0 =	vld [tilespmem:s21+$0x6200]  }
0xc4: {  	v1 =	vld [tilespmem:s21+$0x6080]  }
0xc5: {  	v5 =	vld [tilespmem:s21+$0x6100]  }
0xc6: {  	v9 =	vld [tilespmem:s21+$0x6180]  }
0xc7: {  	s28 =	simm.s32 $0x10;
	s29 =	simm.s32 $0x40  }
0xc8: {  	s31 =	simm.s32 $0x10;
	s30 =	sand.u32 $0x70, s28;
	s23 =	sand.u32 $0x7E00, s29  }
0xc9: {  	v2 =	vld [tilespmem:s31+$0x4080];
	s21 =	sor.u32 s30, s23  }
0xca: {  	v7 =	vld [tilespmem:s21+$0x6200];
	v0 =	vmul.f32 v0, v6;
	v1 =	vmul.f32 v1, v6  }
0xcb: {  	v3 =	vimm.f32 $0.0e+00;
	v4 =	vld [tilespmem:s21+$0x6080];
	v8 =	vmul.f32 v5, v6;
	v9 =	vmul.f32 v9, v6  }
0xcc: {  	s22 =	simm.s32 $0x20;
	s23 =	simm.s32 $0x80;
	v5 =	vld [tilespmem:s21+$0x6100];
	v6 =	vimm.f32 $0.0e+00;
	v0 =	vadd.f32 v0, v3;
	v1 =	vadd.f32 v1, v3  }
.LBB2_4:
0xcd: {  	s24 =	sand.u32 $0x70, s22;
	s25 =	sshra.s32 s23, $0x2;
	v10 =	vld [tilespmem:s21+$0x6180];
	v3 =	vadd.f32 v8, v3;
	p0 =	sne.s32 s22, $0x1FF0  }
.Ltmp1:
0xce: {  	s21 =	sand.u32 $0x7E00, s23;
	s22 =	sadd.s32 $0x10, s22;
	v6 =	vadd.f32 v9, v6;
	(pc) =	sbr.rel @p0 .LBB2_4-.Ltmp1, $4  }
0xcf: {  	s21 =	sor.u32 s24, s21;
	v11 =	vmov v2;
	v9 =	vmul.f32 v7, v2;
	v2 =	vld [tilespmem:s25+$0x4080]  }
0xd0: {  	v7 =	vld [tilespmem:s21+$0x6200];
	v12 =	vmul.f32 v4, v11  }
0xd1: {  	v4 =	vld [tilespmem:s21+$0x6080];
	v8 =	vmul.f32 v5, v11;
	v0 =	vadd.f32 v9, v0  }
0xd2: {  	s23 =	sadd.s32 $0x40, s23;
	v5 =	vld [tilespmem:s21+$0x6100];
	v1 =	vadd.f32 v12, v1;
	v9 =	vmul.f32 v10, v11  }
0xd3: {  	v10 =	vld [tilespmem:s21+$0x6180];
	[tilespmem:s13], [sflag:$0x1] =	stream.strided.gather [hbm4b:s7+s11], $0x8000, s12, s11, $0x38  }
0xd4: {  	_ =	swait.ge [sflag:s18], $0x8000  }
0xd5: {  	s26 =	simm.s32 $0x0;
	s23 =	simm.s32 $0x0;
	[sflag:s18] =	ssyncset.done $0x0  }
0xd6: {  	s22 =	sand.u32 $0x70, s26;
	s21 =	sand.u32 $0x7E00, s26;
	[sflag:s18] =	ssyncadd.s32 $0xFFFF8000  }
0xd7: {  	s21 =	sor.u32 s22, s21;
	v13 =	vld [tilespmem:s23+$0x4080]  }
0xd8: {  	v11 =	vld [tilespmem:s21+$0xE200]  }
0xd9: {  	v12 =	vld [tilespmem:s21+$0xE080]  }
0xda: {  	v7 =	vmul.f32 v7, v2;
	v14 =	vld [tilespmem:s21+$0xE100]  }
0xdb: {  	v3 =	vadd.f32 v8, v3;
	s28 =	simm.s32 $0x10;
	s29 =	simm.s32 $0x40;
	v4 =	vmul.f32 v4, v2;
	v15 =	vld [tilespmem:s21+$0xE180]  }
0xdc: {  	s31 =	simm.s32 $0x10;
	v8 =	vadd.f32 v9, v6;
	s30 =	sand.u32 $0x70, s28;
	v5 =	vmul.f32 v5, v2;
	v0 =	vadd.f32 v7, v0;
	s23 =	sand.u32 $0x7E00, s29  }
0xdd: {  	v6 =	vld [tilespmem:s31+$0x4080];
	v7 =	vimm.f32 $0.0e+00;
	v1 =	vadd.f32 v4, v1;
	v4 =	vmul.f32 v10, v2;
	s21 =	sor.u32 s30, s23  }
0xde: {  	v2 =	vadd.f32 v5, v3;
	v9 =	vmul.f32 v11, v13;
	v11 =	vld [tilespmem:s21+$0xE200];
	v5 =	vmul.f32 v12, v13  }
0xdf: {  	v10 =	vimm.f32 $0.0e+00;
	v3 =	vadd.f32 v4, v8;
	v8 =	vld [tilespmem:s21+$0xE080];
	v12 =	vmul.f32 v14, v13  }
0xe0: {  	s22 =	simm.s32 $0x20;
	s23 =	simm.s32 $0x80;
	v13 =	vmul.f32 v15, v13;
	v4 =	vadd.f32 v9, v7;
	v9 =	vld [tilespmem:s21+$0xE100];
	v5 =	vadd.f32 v5, v7  }
.LBB2_6:
0xe1: {  	s24 =	sand.u32 $0x70, s22;
	s25 =	sshra.s32 s23, $0x2;
	v14 =	vld [tilespmem:s21+$0xE180];
	v7 =	vadd.f32 v12, v7;
	p0 =	sne.s32 s22, $0x1FF0  }
.Ltmp2:
0xe2: {  	s21 =	sand.u32 $0x7E00, s23;
	s22 =	sadd.s32 $0x10, s22;
	v10 =	vadd.f32 v13, v10;
	(pc) =	sbr.rel @p0 .LBB2_6-.Ltmp2, $4  }
0xe3: {  	s21 =	sor.u32 s24, s21;
	v15 =	vmov v6;
	v13 =	vmul.f32 v11, v6;
	v6 =	vld [tilespmem:s25+$0x4080]  }
0xe4: {  	v11 =	vld [tilespmem:s21+$0xE200];
	v16 =	vmul.f32 v8, v15  }
0xe5: {  	v8 =	vld [tilespmem:s21+$0xE080];
	v12 =	vmul.f32 v9, v15;
	v4 =	vadd.f32 v13, v4  }
0xe6: {  	s23 =	sadd.s32 $0x40, s23;
	v9 =	vld [tilespmem:s21+$0xE100];
	v5 =	vadd.f32 v16, v5;
	v13 =	vmul.f32 v14, v15  }
0xe7: {  	v14 =	vld [tilespmem:s21+$0xE180];
	[tilespmem:s14], [sflag:$0x2] =	stream.strided.gather [hbm4b:s8+s11], $0x8000, s12, s11, $0x38  }
0xe8: {  	_ =	swait.ge [sflag:s17], $0x8000  }
0xe9: {  	s26 =	simm.s32 $0x0;
	s23 =	simm.s32 $0x0;
	[sflag:s17] =	ssyncset.done $0x0  }
0xea: {  	s22 =	sand.u32 $0x70, s26;
	s21 =	sand.u32 $0x7E00, s26;
	[sflag:s17] =	ssyncadd.s32 $0xFFFF8000  }
0xeb: {  	s21 =	sor.u32 s22, s21;
	v17 =	vld [tilespmem:s23+$0x4080]  }
0xec: {  	v15 =	vld [tilespmem:s21+$0x6200]  }
0xed: {  	v16 =	vld [tilespmem:s21+$0x6080]  }
0xee: {  	v18 =	vld [tilespmem:s21+$0x6100]  }
0xef: {  	v11 =	vmul.f32 v11, v6;
	v19 =	vld [tilespmem:s21+$0x6180]  }
0xf0: {  	v7 =	vadd.f32 v12, v7;
	s28 =	simm.s32 $0x10;
	s29 =	simm.s32 $0x40;
	v8 =	vmul.f32 v8, v6  }
0xf1: {  	s31 =	simm.s32 $0x10;
	v10 =	vadd.f32 v13, v10;
	s30 =	sand.u32 $0x70, s28;
	v12 =	vmul.f32 v9, v6;
	v4 =	vadd.f32 v11, v4;
	s23 =	sand.u32 $0x7E00, s29  }
0xf2: {  	v9 =	vld [tilespmem:s31+$0x4080];
	v11 =	vimm.f32 $0.0e+00;
	v5 =	vadd.f32 v8, v5;
	v8 =	vmul.f32 v14, v6;
	s21 =	sor.u32 s30, s23  }
0xf3: {  	v6 =	vadd.f32 v12, v7;
	v13 =	vmul.f32 v15, v17;
	v15 =	vld [tilespmem:s21+$0x6200];
	v14 =	vmul.f32 v16, v17  }
0xf4: {  	v12 =	vld [tilespmem:s21+$0x6080];
	v7 =	vadd.f32 v8, v10;
	v16 =	vmul.f32 v18, v17;
	v17 =	vmul.f32 v19, v17  }
0xf5: {  	s22 =	simm.s32 $0x20;
	s23 =	simm.s32 $0x80;
	v8 =	vadd.f32 v13, v11;
	v13 =	vld [tilespmem:s21+$0x6100];
	v10 =	vadd.f32 v14, v11;
	v14 =	vimm.f32 $0.0e+00  }
.LBB2_8:
0xf6: {  	s24 =	sand.u32 $0x70, s22;
	s25 =	sshra.s32 s23, $0x2;
	v18 =	vld [tilespmem:s21+$0x6180];
	v11 =	vadd.f32 v16, v11;
	p0 =	sne.s32 s22, $0x1FF0  }
.Ltmp3:
0xf7: {  	s21 =	sand.u32 $0x7E00, s23;
	s22 =	sadd.s32 $0x10, s22;
	v14 =	vadd.f32 v17, v14;
	(pc) =	sbr.rel @p0 .LBB2_8-.Ltmp3, $4  }
0xf8: {  	s21 =	sor.u32 s24, s21;
	v19 =	vmov v9;
	v17 =	vmul.f32 v15, v9;
	v9 =	vld [tilespmem:s25+$0x4080]  }
0xf9: {  	v15 =	vld [tilespmem:s21+$0x6200];
	v20 =	vmul.f32 v12, v19  }
0xfa: {  	v12 =	vld [tilespmem:s21+$0x6080];
	v16 =	vmul.f32 v13, v19;
	v8 =	vadd.f32 v17, v8  }
0xfb: {  	s23 =	sadd.s32 $0x40, s23;
	v13 =	vld [tilespmem:s21+$0x6100];
	v10 =	vadd.f32 v20, v10;
	v17 =	vmul.f32 v18, v19  }
0xfc: {  	v18 =	vld [tilespmem:s21+$0x6180];
	_ =	swait.ge [sflag:s18], $0x8000  }
0xfd: {  	s26 =	simm.s32 $0x0;
	s23 =	simm.s32 $0x0;
	[sflag:s18] =	ssyncset.done $0x0  }
0xfe: {  	s22 =	sand.u32 $0x70, s26;
	s21 =	sand.u32 $0x7E00, s26;
	[sflag:s18] =	ssyncadd.s32 $0xFFFF8000  }
0xff: {  	s21 =	sor.u32 s22, s21;
	v21 =	vld [tilespmem:s23+$0x4080]  }
0x100: {  	v19 =	vld [tilespmem:s21+$0xE200]  }
0x101: {  	v20 =	vld [tilespmem:s21+$0xE080]  }
0x102: {  	v22 =	vld [tilespmem:s21+$0xE100]  }
0x103: {  	v15 =	vmul.f32 v15, v9;
	v23 =	vld [tilespmem:s21+$0xE180]  }
0x104: {  	v11 =	vadd.f32 v16, v11;
	s28 =	simm.s32 $0x10;
	s29 =	simm.s32 $0x40;
	v12 =	vmul.f32 v12, v9  }
0x105: {  	s31 =	simm.s32 $0x10;
	v16 =	vadd.f32 v17, v14;
	s30 =	sand.u32 $0x70, s28;
	s23 =	sand.u32 $0x7E00, s29;
	v13 =	vmul.f32 v13, v9;
	v8 =	vadd.f32 v15, v8  }
0x106: {  	s21 =	sor.u32 s30, s23;
	v15 =	vimm.f32 $0.0e+00;
	v12 =	vadd.f32 v12, v10;
	v10 =	vmul.f32 v18, v9;
	v9 =	vld [tilespmem:s31+$0x4080]  }
0x107: {  	v14 =	vadd.f32 v13, v11;
	v11 =	vld [tilespmem:s21+$0xE200];
	v18 =	vmul.f32 v19, v21;
	v24 =	vmul.f32 v20, v21  }
0x108: {  	v17 =	vld [tilespmem:s21+$0xE080];
	v13 =	vadd.f32 v10, v16;
	v20 =	vmul.f32 v22, v21;
	v21 =	vmul.f32 v23, v21  }
0x109: {  	s22 =	simm.s32 $0x20;
	s23 =	simm.s32 $0x80;
	v19 =	vld [tilespmem:s21+$0xE100];
	v10 =	vadd.f32 v18, v15;
	v16 =	vadd.f32 v24, v15;
	v18 =	vimm.f32 $0.0e+00  }
.LBB2_10:
0x10a: {  	s24 =	sand.u32 $0x70, s22;
	s25 =	sshra.s32 s23, $0x2;
	v22 =	vld [tilespmem:s21+$0xE180];
	v15 =	vadd.f32 v20, v15;
	p0 =	sne.s32 s22, $0x1FF0  }
.Ltmp4:
0x10b: {  	s21 =	sand.u32 $0x7E00, s23;
	s22 =	sadd.s32 $0x10, s22;
	v18 =	vadd.f32 v21, v18;
	(pc) =	sbr.rel @p0 .LBB2_10-.Ltmp4, $4  }
0x10c: {  	s21 =	sor.u32 s24, s21;
	v23 =	vmov v9;
	v21 =	vmul.f32 v11, v9;
	v9 =	vld [tilespmem:s25+$0x4080]  }
0x10d: {  	v11 =	vld [tilespmem:s21+$0xE200];
	v24 =	vmul.f32 v17, v23  }
0x10e: {  	v17 =	vld [tilespmem:s21+$0xE080];
	v20 =	vmul.f32 v19, v23;
	v10 =	vadd.f32 v21, v10  }
0x10f: {  	s23 =	sadd.s32 $0x40, s23;
	v19 =	vld [tilespmem:s21+$0xE100];
	v16 =	vadd.f32 v24, v16;
	v21 =	vmul.f32 v22, v23  }
0x110: {  	(xrf2) =	vadd.scan.msk.f32 $0xffff, v1  }
0x111: {  	(xrf2) =	vadd.scan.msk.f32 $0xffff, v2  }
0x112: {  	(xrf2) =	vadd.scan.msk.f32 $0xffff, v3  }
0x113: {  	(xrf2) =	vadd.scan.msk.f32 $0xffff, v0  }
0x114: {  	(xrf2) =	vadd.scan.msk.f32 $0xffff, v5  }
0x115: {  	v31 =	vld [tilespmem:s21+$0xE180];
	(xrf2) =	vadd.scan.msk.f32 $0xffff, v6  }
0x116: {  	(xrf2) =	vadd.scan.msk.f32 $0xffff, v7  }
0x117: {  	(xrf2) =	vadd.scan.msk.f32 $0xffff, v4  }
0x118: {  	v32 =	vmul.f32 v17, v9;
	(xrf2) =	vadd.scan.msk.f32 $0xffff, v12  }
0x119: {  	v33 =	vadd.f32 v20, v15;
	v34 =	vmul.f32 v19, v9;
	(xrf2) =	vadd.scan.msk.f32 $0xffff, v14  }
0x11a: {  	v35 =	vadd.f32 v21, v18;
	v1 =	vadd.f32 v32, v16;
	v0 =	vmul.f32 v31, v9;
	v36, _, _ =	vpop (xrf2);
	(xrf2) =	vadd.scan.msk.f32 $0xffff, v13  }
0x11b: {  	v2 =	vadd.f32 v34, v33;
	v37, _, _ =	vpop (xrf2);
	(xrf2) =	vadd.scan.msk.f32 $0xffff, v8  }
0x11c: {  	v0 =	vadd.f32 v0, v35;
	v38 =	vbroadcast v36, $0xF;
	v3 =	vbroadcast v37, $0xF;
	v39, _, _ =	vpop (xrf2);
	(xrf2) =	vadd.scan.msk.f32 $0xffff, v1  }
0x11d: {  	v40 =	vmul.f32 v11, v9;
	v5 =	vbroadcast v39, $0xF;
	v41, _, _ =	vpop (xrf2);
	(xrf2) =	vadd.scan.msk.f32 $0xffff, v2  }
0x11e: {  	v42 =	vsel vm0, v38, v3;
	v43 =	vbroadcast v41, $0xF;
	v44, _, _ =	vpop (xrf2);
	(xrf2) =	vadd.scan.msk.f32 $0xffff, v0  }
0x11f: {  	v1 =	vadd.f32 v40, v10;
	v45, _, _ =	vpop (xrf2);
	v2 =	vsel vm1, v42, v5;
	v4 =	vbroadcast v44, $0xF  }
0x120: {  	v46, _, _ =	vpop (xrf2);
	v2 =	vsel vm2, v2, v43;
	v0 =	vbroadcast v45, $0xF  }
0x121: {  	(xrf2) =	vadd.scan.msk.f32 $0xffff, v1;
	v2 =	vsel vm3, v2, v4;
	v47 =	vbroadcast v46, $0xF;
	v48, _, _ =	vpop (xrf2)  }
0x122: {  	v49, _, _ =	vpop (xrf2);
	v0 =	vsel vm4, v2, v0;
	v50 =	vbroadcast v48, $0xF  }
0x123: {  	v51, _, _ =	vpop (xrf2);
	v0 =	vsel vm5, v0, v47;
	v1 =	vbroadcast v49, $0xF  }
0x124: {  	v52, _, _ =	vpop (xrf2);
	v0 =	vsel vm6, v0, v50;
	v53 =	vbroadcast v51, $0xF  }
0x125: {  	v54, _, _ =	vpop (xrf2);
	v0 =	vsel vm7, v0, v1;
	v55 =	vbroadcast v52, $0xF  }
0x126: {  	v56, _, _ =	vpop (xrf2);
	v0 =	vsel vm8, v0, v53;
	v57 =	vbroadcast v54, $0xF  }
0x127: {  	v58, _, _ =	vpop (xrf2);
	v0 =	vsel vm9, v0, v55;
	v59 =	vbroadcast v56, $0xF  }
0x128: {  	v60, _, _ =	vpop (xrf2);
	v0 =	vsel vm10, v0, v57;
	v61 =	vbroadcast v58, $0xF  }
0x129: {  	v0 =	vsel vm11, v0, v59;
	v62 =	vbroadcast v60, $0xF  }
0x12a: {  	v0 =	vsel vm12, v0, v61  }
0x12b: {  	v63, _, _ =	vpop (xrf2);
	v0 =	vsel vm13, v0, v62  }
0x12c: {  	s20 =	sadd.s32 $0x1, s20;
	v0 =	vsel vm14, v0, v63  }
0x12d: {  	p0 =	sne.s32 s20, s10;
	v0 =	vmax.f32 v0, $9.999999970e-07  }
.Ltmp5:
0x12e: {  	[tilespmem:$0x16080] =	vst v0;
	(pc) =	sbr.rel @p0 .LBB2_1-.Ltmp5, $4  }
0x12f: {  	[hbm4b:s9+s4] =	stream.linear.scatter [tilespmem:s19], [sflag:$0x3], $0x10, $0x38;
	[tilespmem:$0x16100] =	vst v63  }
0x130: {  	_ =	swait.ge [sflag:s15], $0x10  }
0x131: {  	[sflag:s15] =	ssyncset.done $0x0  }
0x132: {  	[sflag:s15] =	ssyncadd.s32 $0xFFFFFFF0  }
0x133: {  	_ =	sfence.sel $0x180000  }
0x134: {  	[bflag:$0x0] =	sbarrier.arrive $0xFFFF  }
0x135: {  	p0 =	sne.s32 s3, $0x0;
	_ =	strace $0x90000047  }
0x136: {  	s0 =	sadd.s32 @!p0 $0x100000, s0;
	[bflag:$0x2] =	sbarrier.arrive $0xFFFF  }
0x137: {  	[sflag:s0] =	ssyncadd.tile.s32 @!p0 $0x1;
	_ =	shalt  }
.Lfunc_end2:
_tile_overlayer_lowered:
.L_overlay_start_2:
0x138: {  	(tag) =	ssettag $0x2  }
0x139: {  	s0 =	rddreg [dreg:$0x0];
	s2 =	stileid.u32  }
0x13a: {  	s1 =	rddreg [dreg:$0x1];
	p0 =	sne.s32 s2, $0x0  }
0x13b: {  	s3 =	rddreg [dreg:$0x2];
	[bflag:$0x3] =	sbarrier.arrive $0xFFFF;
	s2 =	simm.s32 @!p0 $0x1C03  }
0x13c: {  	[timem:s3], [sflag:s2] =	dma.local @!p0 [hbm:s0], s1  }
0x13d: {  	s0 =	simm.s32 @!p0 $0x3  }
0x13e: {  	_ =	swait.ge @!p0 [sflag:s0], s1  }
0x13f: {  	s1 =	ssub.s32 @!p0 $0x0, s1;
	[sflag:s0] =	ssyncset.done @!p0 $0x0  }
0x140: {  	[sflag:s0] =	ssyncadd.s32 @!p0 s1  }
0x141: {  	[bflag:$0x3] =	sbarrier.arrive $0xFFFF  }
0x142: {  	_ =	shalt  }

</sc_bundles>
